<compile_context>
chip_gen: v7x
topology: tpu7x:2x2x1
jax: 0.10.2.dev20260603
libtpu: 0.0.44.dev20260713+nightly
codegen_flags: <defaults>
</compile_context>

<pallas_src>
import functools

import jax
import jax.numpy as jnp
from jax import lax
from jax.experimental import pallas as pl
from jax.experimental.pallas import tpu as pltpu
from jax.experimental.pallas import tpu_sc as plsc

N_NODES = 50000
SUBTOK = 20
EMB = 128

NC = 2
NS = 16
NW = NC * NS
UNIT = 224
U_CORE0 = 12
U_CORE1 = 2
N_UNITS = NS * (U_CORE0 + U_CORE1)
N_PAD = N_UNITS * UNIT
TAIL = N_NODES - (N_UNITS - 1) * UNIT
IDX_UNIT = UNIT * SUBTOK

_mesh = plsc.VectorSubcoreMesh(core_axis_name="c", subcore_axis_name="s")


@functools.partial(
    pl.kernel,
    out_type=jax.ShapeDtypeStruct((N_NODES, EMB), jnp.float32),
    mesh=_mesh,
    scratch_types=[
        pltpu.VMEM((IDX_UNIT,), jnp.int32),
        pltpu.VMEM((IDX_UNIT,), jnp.int32),
        pltpu.VMEM((UNIT,), jnp.int32),
        pltpu.VMEM((UNIT,), jnp.int32),
        pltpu.VMEM((UNIT, EMB), jnp.float32),
        pltpu.VMEM((UNIT, EMB), jnp.float32),
        pltpu.SemaphoreType.DMA,
        pltpu.SemaphoreType.DMA,
        pltpu.SemaphoreType.DMA,
        pltpu.SemaphoreType.DMA,
    ],
)
def _node_embedding_sc(tokens_hbm, nodes_hbm, token_table, node_table,
                       out_hbm, tok_idx0_v, tok_idx1_v, node_idx0_v,
                       node_idx1_v, acc0_v, acc1_v,
                       sem_add0, sem_add1, sem_init0, sem_init1):
    cid = lax.axis_index("c")
    sid = lax.axis_index("s")
    n_pairs = lax.select(cid == 0, U_CORE0 // 2, U_CORE1 // 2)
    unit0 = lax.select(cid == 0, sid * U_CORE0,
                       NS * U_CORE0 + sid * U_CORE1)
    tok_idxs = (tok_idx0_v, tok_idx1_v)
    node_idxs = (node_idx0_v, node_idx1_v)
    accs = (acc0_v, acc1_v)
    sem_adds = (sem_add0, sem_add1)
    sem_inits = (sem_init0, sem_init1)

    def stage_and_init(b, gu):
        pltpu.sync_copy(tokens_hbm.at[pl.ds(gu * IDX_UNIT, IDX_UNIT)],
                        tok_idxs[b])
        pltpu.sync_copy(nodes_hbm.at[pl.ds(gu * UNIT, UNIT)],
                        node_idxs[b])
        pltpu.async_copy(node_table.at[node_idxs[b]], accs[b],
                         sem_inits[b])

    def wait_init(b):
        pltpu.make_async_copy(node_table.at[pl.ds(0, UNIT)], accs[b],
                              sem_inits[b]).wait()

    def fire_adds(b):
        def body(j, _):
            pltpu.async_copy(
                token_table.at[tok_idxs[b].at[pl.ds(j * UNIT, UNIT)]],
                accs[b], sem_adds[b], add=True)
            return 0
        lax.fori_loop(0, SUBTOK, body, 0)

    def drain_adds(b):
        def body(j, _):
            pltpu.make_async_copy(token_table.at[pl.ds(0, UNIT)], accs[b],
                                  sem_adds[b]).wait()
            return 0
        lax.fori_loop(0, SUBTOK, body, 0)

    def writeback(b, gu):
        @pl.when(gu != N_UNITS - 1)
        def _():
            pltpu.sync_copy(accs[b], out_hbm.at[pl.ds(gu * UNIT, UNIT)])

        @pl.when(gu == N_UNITS - 1)
        def _():
            pltpu.sync_copy(accs[b].at[pl.ds(0, TAIL)],
                            out_hbm.at[pl.ds(gu * UNIT, TAIL)])

    stage_and_init(0, unit0)

    def pair_body(g, _):
        u0 = unit0 + 2 * g
        wait_init(0)
        fire_adds(0)
        stage_and_init(1, u0 + 1)
        wait_init(1)
        fire_adds(1)
        drain_adds(0)
        writeback(0, u0)

        @pl.when(g + 1 < n_pairs)
        def _():
            stage_and_init(0, u0 + 2)

        drain_adds(1)
        writeback(1, u0 + 1)
        return 0

    lax.fori_loop(0, n_pairs, pair_body, 0)


def kernel(tokens, nodes, token_table, node_table):
    tokens = tokens.astype(jnp.int32)
    nodes = nodes.astype(jnp.int32)
    tokens_p = jnp.zeros((N_PAD, SUBTOK), jnp.int32).at[:N_NODES].set(tokens)
    nodes_p = jnp.zeros((N_PAD,), jnp.int32).at[:N_NODES].set(nodes)
    tokens_flat = (tokens_p.reshape(N_UNITS, UNIT, SUBTOK)
                   .transpose(0, 2, 1)
                   .reshape(N_PAD * SUBTOK))
    return _node_embedding_sc(tokens_flat, nodes_p, token_table, node_table)

# --- scband reference (transcript-rebuilt; emitter-appended) ---
"""Pipeline reference for scband-node-embedding-84215718740598 (READ-ONLY COPY).

The authoritative reference and input builder live on the scoring server;
editing this copy changes nothing except your own understanding.
"""

import jax, jax.numpy as jnp
import numpy as np

TOKEN_VOCAB = 100000
NODE_VOCAB = 1000
EMB = 128
N_NODES = 50000
SUBTOK = 20

def setup_inputs(seed: int = 0) -> dict:
    key = jax.random.key(seed)
    k1, k2, k3, k4 = jax.random.split(key, 4)
    tokens = jax.random.randint(k1, (N_NODES, SUBTOK), 0, TOKEN_VOCAB, dtype=jnp.int64 if jax.config.jax_enable_x64 else jnp.int32)
    nodes = jax.random.randint(k2, (N_NODES,), 0, NODE_VOCAB, dtype=jnp.int64 if jax.config.jax_enable_x64 else jnp.int32)
    token_table = jax.random.normal(k3, (TOKEN_VOCAB, EMB), dtype=jnp.float32) * 0.02
    node_table = jax.random.normal(k4, (NODE_VOCAB, EMB), dtype=jnp.float32) * 0.02
    # emulate padding_idx=0: zero row
    token_table = token_table.at[0].set(0.0)
    node_table = node_table.at[0].set(0.0)
    return {"tokens": tokens, "nodes": nodes, "token_table": token_table, "node_table": node_table}

def reference(tokens, nodes, token_table, node_table):
    # token_embedding(graph.ndata[TOKEN]).sum(1)
    token_embedding = jnp.take(token_table, tokens, axis=0).sum(axis=1)
    # node_embedding(graph.ndata[NODE])
    node_embedding = jnp.take(node_table, nodes, axis=0)
    return token_embedding + node_embedding

if __name__ == "__main__":
    import jax
    _d = setup_inputs()
    print(jax.jit(kernel)(*tuple(_d.values())))

</pallas_src>

<mosaic_0001>
#map = affine_map<(d0, d1) -> (0)>
#map1 = affine_map<(d0, d1) -> (0, 0)>
module attributes {stable_mosaic.version = 14 : i64} {
  func.func @_node_embedding_sc(%arg0: i32, %arg1: i32, %arg2: memref<1003520xi32, #tpu.memory_space<hbm>>, %arg3: memref<50176xi32, #tpu.memory_space<hbm>>, %arg4: memref<100000x128xf32, #tpu.memory_space<hbm>>, %arg5: memref<1000x128xf32, #tpu.memory_space<hbm>>, %arg6: memref<50000x128xf32, #tpu.memory_space<hbm>>, %arg7: memref<4480xi32, #tpu.memory_space<vmem>>, %arg8: memref<4480xi32, #tpu.memory_space<vmem>>, %arg9: memref<224xi32, #tpu.memory_space<vmem>>, %arg10: memref<224xi32, #tpu.memory_space<vmem>>, %arg11: memref<224x128xf32, #tpu.memory_space<vmem>>, %arg12: memref<224x128xf32, #tpu.memory_space<vmem>>, %arg13: memref<!tpu.dma_semaphore, #tpu.memory_space<semaphore_mem>>, %arg14: memref<!tpu.dma_semaphore, #tpu.memory_space<semaphore_mem>>, %arg15: memref<!tpu.dma_semaphore, #tpu.memory_space<semaphore_mem>>, %arg16: memref<!tpu.dma_semaphore, #tpu.memory_space<semaphore_mem>>) attributes {dimension_semantics = [#tpu.dimension_semantics<core_parallel>, #tpu.dimension_semantics<subcore_parallel>], iteration_bounds = array<i64: 2, 16>, scalar_prefetch = 0 : i64, scratch_operands = 10 : i64, tpu.core_type = #tpu.core_type<sc_vector_subcore>, window_params = [{transform_indices = #map}, {transform_indices = #map}, {transform_indices = #map1}, {transform_indices = #map1}, {transform_indices = #map1}]} {
    %eq3A = arith.constant 0 : i32
    %eq3A_0 = arith.cmpi eq, %arg0, %eq3A : i32
    %select_n3A = arith.constant 1 : i32
    %select_n3A_1 = arith.constant 6 : i32
    %select_n3A_2 = arith.select %eq3A_0, %select_n3A_1, %select_n3A : i32
    %eq3A_3 = arith.constant 0 : i32
    %eq3A_4 = arith.cmpi eq, %arg0, %eq3A_3 : i32
    %mul3A = arith.constant 12 : i32
    %mul3A_5 = arith.muli %arg1, %mul3A : i32
    %mul3A_6 = arith.constant 2 : i32
    %mul3A_7 = arith.muli %arg1, %mul3A_6 : i32
    %add3A = arith.constant 192 : i32
    %add3A_8 = arith.addi %add3A, %mul3A_7 : i32
    %select_n3A_9 = arith.select %eq3A_4, %mul3A_5, %add3A_8 : i32
    %mul3A_10 = arith.constant 4480 : i32
    %mul3A_11 = arith.muli %select_n3A_9, %mul3A_10 : i32
    "tpu.region"() ({
      %run_scoped3A = tpu.sem_alloc : memref<!tpu.dma_semaphore, #tpu.memory_space<semaphore_mem>>
      %dma_start3A_27 = tpu.memref_slice %arg2[%mul3A_11] : memref<1003520xi32, #tpu.memory_space<hbm>> -> memref<4480xi32, #tpu.memory_space<hbm>>
      %dma_start3A_28 = tpu.memref_slice %arg2[%mul3A_11] : memref<1003520xi32, #tpu.memory_space<hbm>> -> memref<4480xi32, #tpu.memory_space<hbm>>
      tpu.enqueue_dma source(%dma_start3A_28 : memref<4480xi32, #tpu.memory_space<hbm>>) target(%arg7 : memref<4480xi32, #tpu.memory_space<vmem>>) target_semaphore(%run_scoped3A : memref<!tpu.dma_semaphore, #tpu.memory_space<semaphore_mem>>)
      %dma_wait3A = tpu.memref_slice %arg2[%mul3A_11] : memref<1003520xi32, #tpu.memory_space<hbm>> -> memref<4480xi32, #tpu.memory_space<hbm>>
      %dma_wait3A_29 = tpu.memref_slice %arg2[%mul3A_11] : memref<1003520xi32, #tpu.memory_space<hbm>> -> memref<4480xi32, #tpu.memory_space<hbm>>
      tpu.wait_dma2 semaphore(%run_scoped3A : memref<!tpu.dma_semaphore, #tpu.memory_space<semaphore_mem>>) src(%dma_wait3A_29 : memref<4480xi32, #tpu.memory_space<hbm>>) dst(%arg7 : memref<4480xi32, #tpu.memory_space<vmem>>)
      tpu.yield
    }) : () -> ()
    %mul3A_12 = arith.constant 224 : i32
    %mul3A_13 = arith.muli %select_n3A_9, %mul3A_12 : i32
    "tpu.region"() ({
      %run_scoped3A = tpu.sem_alloc : memref<!tpu.dma_semaphore, #tpu.memory_space<semaphore_mem>>
      %dma_start3A_27 = tpu.memref_slice %arg3[%mul3A_13] : memref<50176xi32, #tpu.memory_space<hbm>> -> memref<224xi32, #tpu.memory_space<hbm>>
      %dma_start3A_28 = tpu.memref_slice %arg3[%mul3A_13] : memref<50176xi32, #tpu.memory_space<hbm>> -> memref<224xi32, #tpu.memory_space<hbm>>
      tpu.enqueue_dma source(%dma_start3A_28 : memref<224xi32, #tpu.memory_space<hbm>>) target(%arg9 : memref<224xi32, #tpu.memory_space<vmem>>) target_semaphore(%run_scoped3A : memref<!tpu.dma_semaphore, #tpu.memory_space<semaphore_mem>>)
      %dma_wait3A = tpu.memref_slice %arg3[%mul3A_13] : memref<50176xi32, #tpu.memory_space<hbm>> -> memref<224xi32, #tpu.memory_space<hbm>>
      %dma_wait3A_29 = tpu.memref_slice %arg3[%mul3A_13] : memref<50176xi32, #tpu.memory_space<hbm>> -> memref<224xi32, #tpu.memory_space<hbm>>
      tpu.wait_dma2 semaphore(%run_scoped3A : memref<!tpu.dma_semaphore, #tpu.memory_space<semaphore_mem>>) src(%dma_wait3A_29 : memref<224xi32, #tpu.memory_space<hbm>>) dst(%arg9 : memref<224xi32, #tpu.memory_space<vmem>>)
      tpu.yield
    }) : () -> ()
    %dma_start3A = arith.constant 0 : i32
    %dma_start3A_14 = arith.constant 0 : i32
    %dma_start3A_15 = tpu.memref_slice %arg5[%dma_start3A, %dma_start3A_14] : memref<1000x128xf32, #tpu.memory_space<hbm>> -> memref<1000x128xf32, #tpu.memory_space<hbm>>
    tpu.enqueue_indirect_dma source(%dma_start3A_15 : memref<1000x128xf32, #tpu.memory_space<hbm>>) target(%arg11 : memref<224x128xf32, #tpu.memory_space<vmem>>) offsets(%arg9 : memref<224xi32, #tpu.memory_space<vmem>>) semaphore(%arg15 : memref<!tpu.dma_semaphore, #tpu.memory_space<semaphore_mem>>)
    %while3A = arith.constant 0 : i32
    %while3A_16 = arith.constant 0 : i32
    %while3A_17 = arith.subi %select_n3A_2, %while3A : i32
    %while3A_18 = arith.addi %while3A, %while3A_17 : i32
    %while3A_19 = arith.constant 1 : i32
    %while3A_20 = arith.divsi %while3A_17, %while3A_19 : i32
    %while3A_21 = arith.muli %while3A_20, %while3A_19 : i32
    %while3A_22 = arith.addi %while3A, %while3A_21 : i32
    %while3A_23 = arith.constant 1 : i32
    %while3A_24 = scf.for %while3A_27 = %while3A to %while3A_22 step %while3A_23 iter_args(%while3A_28 = %while3A_16) -> (i32)  : i32 {
      %mul3A_29 = arith.constant 2 : i32
      %mul3A_30 = arith.muli %mul3A_29, %while3A_27 : i32
      %add3A_31 = arith.addi %select_n3A_9, %mul3A_30 : i32
      %dma_wait3A = arith.constant 0 : i32
      %dma_wait3A_32 = arith.constant 0 : i32
      %dma_wait3A_33 = tpu.memref_slice %arg5[%dma_wait3A, %dma_wait3A_32] : memref<1000x128xf32, #tpu.memory_space<hbm>> -> memref<224x128xf32, #tpu.memory_space<hbm>>
      %dma_wait3A_34 = arith.constant 0 : i32
      %dma_wait3A_35 = arith.constant 0 : i32
      %dma_wait3A_36 = tpu.memref_slice %arg5[%dma_wait3A_34, %dma_wait3A_35] : memref<1000x128xf32, #tpu.memory_space<hbm>> -> memref<224x128xf32, #tpu.memory_space<hbm>>
      tpu.wait_dma2 semaphore(%arg15 : memref<!tpu.dma_semaphore, #tpu.memory_space<semaphore_mem>>) src(%dma_wait3A_36 : memref<224x128xf32, #tpu.memory_space<hbm>>) dst(%arg11 : memref<224x128xf32, #tpu.memory_space<vmem>>)
      %scan3A = arith.constant 0 : i32
      %scan3A_37 = arith.constant 0 : i32
      %scan3A_38 = arith.constant 20 : i32
      %scan3A_39 = arith.addi %scan3A_37, %scan3A_38 : i32
      %scan3A_40 = arith.constant 1 : i32
      %scan3A_41 = scf.for %scan3A_104 = %scan3A_37 to %scan3A_39 step %scan3A_40 iter_args(%scan3A_105 = %scan3A) -> (i32)  : i32 {
        %mul3A_106 = arith.constant 224 : i32
        %mul3A_107 = arith.muli %scan3A_104, %mul3A_106 : i32
        %dma_start3A_108 = tpu.memref_slice %arg7[%mul3A_107] : memref<4480xi32, #tpu.memory_space<vmem>> -> memref<224xi32, #tpu.memory_space<vmem>>
        %dma_start3A_109 = arith.constant 0 : i32
        %dma_start3A_110 = arith.constant 0 : i32
        %dma_start3A_111 = tpu.memref_slice %arg4[%dma_start3A_109, %dma_start3A_110] : memref<100000x128xf32, #tpu.memory_space<hbm>> -> memref<100000x128xf32, #tpu.memory_space<hbm>>
        tpu.enqueue_indirect_dma source(%dma_start3A_111 : memref<100000x128xf32, #tpu.memory_space<hbm>>) target(%arg11 : memref<224x128xf32, #tpu.memory_space<vmem>>) offsets(%dma_start3A_108 : memref<224xi32, #tpu.memory_space<vmem>>) semaphore(%arg13 : memref<!tpu.dma_semaphore, #tpu.memory_space<semaphore_mem>>) {add = true}
        %scan3A_112 = arith.constant 0 : i32
        scf.yield %scan3A_112 : i32
      }
      %scan3A_42 = arith.constant 20 : i32
      %add3A_43 = arith.constant 1 : i32
      %add3A_44 = arith.addi %add3A_31, %add3A_43 : i32
      %mul3A_45 = arith.constant 4480 : i32
      %mul3A_46 = arith.muli %add3A_44, %mul3A_45 : i32
      "tpu.region"() ({
        %run_scoped3A = tpu.sem_alloc : memref<!tpu.dma_semaphore, #tpu.memory_space<semaphore_mem>>
        %dma_start3A_104 = tpu.memref_slice %arg2[%mul3A_46] : memref<1003520xi32, #tpu.memory_space<hbm>> -> memref<4480xi32, #tpu.memory_space<hbm>>
        %dma_start3A_105 = tpu.memref_slice %arg2[%mul3A_46] : memref<1003520xi32, #tpu.memory_space<hbm>> -> memref<4480xi32, #tpu.memory_space<hbm>>
        tpu.enqueue_dma source(%dma_start3A_105 : memref<4480xi32, #tpu.memory_space<hbm>>) target(%arg8 : memref<4480xi32, #tpu.memory_space<vmem>>) target_semaphore(%run_scoped3A : memref<!tpu.dma_semaphore, #tpu.memory_space<semaphore_mem>>)
        %dma_wait3A_106 = tpu.memref_slice %arg2[%mul3A_46] : memref<1003520xi32, #tpu.memory_space<hbm>> -> memref<4480xi32, #tpu.memory_space<hbm>>
        %dma_wait3A_107 = tpu.memref_slice %arg2[%mul3A_46] : memref<1003520xi32, #tpu.memory_space<hbm>> -> memref<4480xi32, #tpu.memory_space<hbm>>
        tpu.wait_dma2 semaphore(%run_scoped3A : memref<!tpu.dma_semaphore, #tpu.memory_space<semaphore_mem>>) src(%dma_wait3A_107 : memref<4480xi32, #tpu.memory_space<hbm>>) dst(%arg8 : memref<4480xi32, #tpu.memory_space<vmem>>)
        tpu.yield
      }) : () -> ()
      %mul3A_47 = arith.constant 224 : i32
      %mul3A_48 = arith.muli %add3A_44, %mul3A_47 : i32
      "tpu.region"() ({
        %run_scoped3A = tpu.sem_alloc : memref<!tpu.dma_semaphore, #tpu.memory_space<semaphore_mem>>
        %dma_start3A_104 = tpu.memref_slice %arg3[%mul3A_48] : memref<50176xi32, #tpu.memory_space<hbm>> -> memref<224xi32, #tpu.memory_space<hbm>>
        %dma_start3A_105 = tpu.memref_slice %arg3[%mul3A_48] : memref<50176xi32, #tpu.memory_space<hbm>> -> memref<224xi32, #tpu.memory_space<hbm>>
        tpu.enqueue_dma source(%dma_start3A_105 : memref<224xi32, #tpu.memory_space<hbm>>) target(%arg10 : memref<224xi32, #tpu.memory_space<vmem>>) target_semaphore(%run_scoped3A : memref<!tpu.dma_semaphore, #tpu.memory_space<semaphore_mem>>)
        %dma_wait3A_106 = tpu.memref_slice %arg3[%mul3A_48] : memref<50176xi32, #tpu.memory_space<hbm>> -> memref<224xi32, #tpu.memory_space<hbm>>
        %dma_wait3A_107 = tpu.memref_slice %arg3[%mul3A_48] : memref<50176xi32, #tpu.memory_space<hbm>> -> memref<224xi32, #tpu.memory_space<hbm>>
        tpu.wait_dma2 semaphore(%run_scoped3A : memref<!tpu.dma_semaphore, #tpu.memory_space<semaphore_mem>>) src(%dma_wait3A_107 : memref<224xi32, #tpu.memory_space<hbm>>) dst(%arg10 : memref<224xi32, #tpu.memory_space<vmem>>)
        tpu.yield
      }) : () -> ()
      %dma_start3A_49 = arith.constant 0 : i32
      %dma_start3A_50 = arith.constant 0 : i32
      %dma_start3A_51 = tpu.memref_slice %arg5[%dma_start3A_49, %dma_start3A_50] : memref<1000x128xf32, #tpu.memory_space<hbm>> -> memref<1000x128xf32, #tpu.memory_space<hbm>>
      tpu.enqueue_indirect_dma source(%dma_start3A_51 : memref<1000x128xf32, #tpu.memory_space<hbm>>) target(%arg12 : memref<224x128xf32, #tpu.memory_space<vmem>>) offsets(%arg10 : memref<224xi32, #tpu.memory_space<vmem>>) semaphore(%arg16 : memref<!tpu.dma_semaphore, #tpu.memory_space<semaphore_mem>>)
      %dma_wait3A_52 = arith.constant 0 : i32
      %dma_wait3A_53 = arith.constant 0 : i32
      %dma_wait3A_54 = tpu.memref_slice %arg5[%dma_wait3A_52, %dma_wait3A_53] : memref<1000x128xf32, #tpu.memory_space<hbm>> -> memref<224x128xf32, #tpu.memory_space<hbm>>
      %dma_wait3A_55 = arith.constant 0 : i32
      %dma_wait3A_56 = arith.constant 0 : i32
      %dma_wait3A_57 = tpu.memref_slice %arg5[%dma_wait3A_55, %dma_wait3A_56] : memref<1000x128xf32, #tpu.memory_space<hbm>> -> memref<224x128xf32, #tpu.memory_space<hbm>>
      tpu.wait_dma2 semaphore(%arg16 : memref<!tpu.dma_semaphore, #tpu.memory_space<semaphore_mem>>) src(%dma_wait3A_57 : memref<224x128xf32, #tpu.memory_space<hbm>>) dst(%arg12 : memref<224x128xf32, #tpu.memory_space<vmem>>)
      %scan3A_58 = arith.constant 0 : i32
      %scan3A_59 = arith.constant 0 : i32
      %scan3A_60 = arith.constant 20 : i32
      %scan3A_61 = arith.addi %scan3A_59, %scan3A_60 : i32
      %scan3A_62 = arith.constant 1 : i32
      %scan3A_63 = scf.for %scan3A_104 = %scan3A_59 to %scan3A_61 step %scan3A_62 iter_args(%scan3A_105 = %scan3A_58) -> (i32)  : i32 {
        %mul3A_106 = arith.constant 224 : i32
        %mul3A_107 = arith.muli %scan3A_104, %mul3A_106 : i32
        %dma_start3A_108 = tpu.memref_slice %arg8[%mul3A_107] : memref<4480xi32, #tpu.memory_space<vmem>> -> memref<224xi32, #tpu.memory_space<vmem>>
        %dma_start3A_109 = arith.constant 0 : i32
        %dma_start3A_110 = arith.constant 0 : i32
        %dma_start3A_111 = tpu.memref_slice %arg4[%dma_start3A_109, %dma_start3A_110] : memref<100000x128xf32, #tpu.memory_space<hbm>> -> memref<100000x128xf32, #tpu.memory_space<hbm>>
        tpu.enqueue_indirect_dma source(%dma_start3A_111 : memref<100000x128xf32, #tpu.memory_space<hbm>>) target(%arg12 : memref<224x128xf32, #tpu.memory_space<vmem>>) offsets(%dma_start3A_108 : memref<224xi32, #tpu.memory_space<vmem>>) semaphore(%arg14 : memref<!tpu.dma_semaphore, #tpu.memory_space<semaphore_mem>>) {add = true}
        %scan3A_112 = arith.constant 0 : i32
        scf.yield %scan3A_112 : i32
      }
      %scan3A_64 = arith.constant 20 : i32
      %scan3A_65 = arith.constant 0 : i32
      %scan3A_66 = arith.constant 0 : i32
      %scan3A_67 = arith.constant 20 : i32
      %scan3A_68 = arith.addi %scan3A_66, %scan3A_67 : i32
      %scan3A_69 = arith.constant 1 : i32
      %scan3A_70 = scf.for %scan3A_104 = %scan3A_66 to %scan3A_68 step %scan3A_69 iter_args(%scan3A_105 = %scan3A_65) -> (i32)  : i32 {
        %dma_wait3A_106 = arith.constant 0 : i32
        %dma_wait3A_107 = arith.constant 0 : i32
        %dma_wait3A_108 = tpu.memref_slice %arg4[%dma_wait3A_106, %dma_wait3A_107] : memref<100000x128xf32, #tpu.memory_space<hbm>> -> memref<224x128xf32, #tpu.memory_space<hbm>>
        %dma_wait3A_109 = arith.constant 0 : i32
        %dma_wait3A_110 = arith.constant 0 : i32
        %dma_wait3A_111 = tpu.memref_slice %arg4[%dma_wait3A_109, %dma_wait3A_110] : memref<100000x128xf32, #tpu.memory_space<hbm>> -> memref<224x128xf32, #tpu.memory_space<hbm>>
        tpu.wait_dma2 semaphore(%arg13 : memref<!tpu.dma_semaphore, #tpu.memory_space<semaphore_mem>>) src(%dma_wait3A_111 : memref<224x128xf32, #tpu.memory_space<hbm>>) dst(%arg11 : memref<224x128xf32, #tpu.memory_space<vmem>>)
        %scan3A_112 = arith.constant 0 : i32
        scf.yield %scan3A_112 : i32
      }
      %scan3A_71 = arith.constant 20 : i32
      %ne3A = arith.constant 223 : i32
      %ne3A_72 = arith.cmpi ne, %add3A_31, %ne3A : i32
      %convert_element_type3A = arith.extui %ne3A_72 : i1 to i32
      %cond3A = arith.constant 0 : i32
      %cond3A_73 = arith.cmpi ne, %convert_element_type3A, %cond3A : i32
      scf.if %cond3A_73 {
        %mul3A_104 = arith.constant 224 : i32
        %mul3A_105 = arith.muli %add3A_31, %mul3A_104 : i32
        "tpu.region"() ({
          %run_scoped3A = tpu.sem_alloc : memref<!tpu.dma_semaphore, #tpu.memory_space<semaphore_mem>>
          %dma_start3A_106 = arith.constant 0 : i32
          %dma_start3A_107 = tpu.memref_slice %arg6[%mul3A_105, %dma_start3A_106] : memref<50000x128xf32, #tpu.memory_space<hbm>> -> memref<224x128xf32, #tpu.memory_space<hbm>>
          %dma_start3A_108 = arith.constant 0 : i32
          %dma_start3A_109 = tpu.memref_slice %arg6[%mul3A_105, %dma_start3A_108] : memref<50000x128xf32, #tpu.memory_space<hbm>> -> memref<224x128xf32, #tpu.memory_space<hbm>>
          tpu.enqueue_dma source(%arg11 : memref<224x128xf32, #tpu.memory_space<vmem>>) target(%dma_start3A_109 : memref<224x128xf32, #tpu.memory_space<hbm>>) target_semaphore(%run_scoped3A : memref<!tpu.dma_semaphore, #tpu.memory_space<semaphore_mem>>)
          %dma_wait3A_110 = arith.constant 0 : i32
          %dma_wait3A_111 = tpu.memref_slice %arg6[%mul3A_105, %dma_wait3A_110] : memref<50000x128xf32, #tpu.memory_space<hbm>> -> memref<224x128xf32, #tpu.memory_space<hbm>>
          %dma_wait3A_112 = arith.constant 0 : i32
          %dma_wait3A_113 = tpu.memref_slice %arg6[%mul3A_105, %dma_wait3A_112] : memref<50000x128xf32, #tpu.memory_space<hbm>> -> memref<224x128xf32, #tpu.memory_space<hbm>>
          tpu.wait_dma2 semaphore(%run_scoped3A : memref<!tpu.dma_semaphore, #tpu.memory_space<semaphore_mem>>) src(%arg11 : memref<224x128xf32, #tpu.memory_space<vmem>>) dst(%dma_wait3A_113 : memref<224x128xf32, #tpu.memory_space<hbm>>)
          tpu.yield
        }) : () -> ()
      } else {
      }
      %eq3A_74 = arith.constant 223 : i32
      %eq3A_75 = arith.cmpi eq, %add3A_31, %eq3A_74 : i32
      %convert_element_type3A_76 = arith.extui %eq3A_75 : i1 to i32
      %cond3A_77 = arith.constant 0 : i32
      %cond3A_78 = arith.cmpi ne, %convert_element_type3A_76, %cond3A_77 : i32
      scf.if %cond3A_78 {
        %mul3A_104 = arith.constant 224 : i32
        %mul3A_105 = arith.muli %add3A_31, %mul3A_104 : i32
        "tpu.region"() ({
          %run_scoped3A = tpu.sem_alloc : memref<!tpu.dma_semaphore, #tpu.memory_space<semaphore_mem>>
          %dma_start3A_106 = arith.constant 0 : i32
          %dma_start3A_107 = arith.constant 0 : i32
          %dma_start3A_108 = tpu.memref_slice %arg11[%dma_start3A_106, %dma_start3A_107] : memref<224x128xf32, #tpu.memory_space<vmem>> -> memref<48x128xf32, #tpu.memory_space<vmem>>
          %dma_start3A_109 = arith.constant 0 : i32
          %dma_start3A_110 = tpu.memref_slice %arg6[%mul3A_105, %dma_start3A_109] : memref<50000x128xf32, #tpu.memory_space<hbm>> -> memref<48x128xf32, #tpu.memory_space<hbm>>
          %dma_start3A_111 = arith.constant 0 : i32
          %dma_start3A_112 = tpu.memref_slice %arg6[%mul3A_105, %dma_start3A_111] : memref<50000x128xf32, #tpu.memory_space<hbm>> -> memref<48x128xf32, #tpu.memory_space<hbm>>
          %dma_start3A_113 = arith.constant 0 : i32
          %dma_start3A_114 = arith.constant 0 : i32
          %dma_start3A_115 = tpu.memref_slice %arg11[%dma_start3A_113, %dma_start3A_114] : memref<224x128xf32, #tpu.memory_space<vmem>> -> memref<48x128xf32, #tpu.memory_space<vmem>>
          tpu.enqueue_dma source(%dma_start3A_115 : memref<48x128xf32, #tpu.memory_space<vmem>>) target(%dma_start3A_112 : memref<48x128xf32, #tpu.memory_space<hbm>>) target_semaphore(%run_scoped3A : memref<!tpu.dma_semaphore, #tpu.memory_space<semaphore_mem>>)
          %dma_wait3A_116 = arith.constant 0 : i32
          %dma_wait3A_117 = arith.constant 0 : i32
          %dma_wait3A_118 = tpu.memref_slice %arg11[%dma_wait3A_116, %dma_wait3A_117] : memref<224x128xf32, #tpu.memory_space<vmem>> -> memref<48x128xf32, #tpu.memory_space<vmem>>
          %dma_wait3A_119 = arith.constant 0 : i32
          %dma_wait3A_120 = tpu.memref_slice %arg6[%mul3A_105, %dma_wait3A_119] : memref<50000x128xf32, #tpu.memory_space<hbm>> -> memref<48x128xf32, #tpu.memory_space<hbm>>
          %dma_wait3A_121 = arith.constant 0 : i32
          %dma_wait3A_122 = tpu.memref_slice %arg6[%mul3A_105, %dma_wait3A_121] : memref<50000x128xf32, #tpu.memory_space<hbm>> -> memref<48x128xf32, #tpu.memory_space<hbm>>
          %dma_wait3A_123 = arith.constant 0 : i32
          %dma_wait3A_124 = arith.constant 0 : i32
          %dma_wait3A_125 = tpu.memref_slice %arg11[%dma_wait3A_123, %dma_wait3A_124] : memref<224x128xf32, #tpu.memory_space<vmem>> -> memref<48x128xf32, #tpu.memory_space<vmem>>
          tpu.wait_dma2 semaphore(%run_scoped3A : memref<!tpu.dma_semaphore, #tpu.memory_space<semaphore_mem>>) src(%dma_wait3A_125 : memref<48x128xf32, #tpu.memory_space<vmem>>) dst(%dma_wait3A_122 : memref<48x128xf32, #tpu.memory_space<hbm>>)
          tpu.yield
        }) : () -> ()
      } else {
      }
      %add3A_79 = arith.constant 1 : i32
      %add3A_80 = arith.addi %while3A_27, %add3A_79 : i32
      %lt3A = arith.cmpi slt, %add3A_80, %select_n3A_2 : i32
      %convert_element_type3A_81 = arith.extui %lt3A : i1 to i32
      %cond3A_82 = arith.constant 0 : i32
      %cond3A_83 = arith.cmpi ne, %convert_element_type3A_81, %cond3A_82 : i32
      scf.if %cond3A_83 {
        %add3A_104 = arith.constant 2 : i32
        %add3A_105 = arith.addi %add3A_31, %add3A_104 : i32
        %mul3A_106 = arith.constant 4480 : i32
        %mul3A_107 = arith.muli %add3A_105, %mul3A_106 : i32
        "tpu.region"() ({
          %run_scoped3A = tpu.sem_alloc : memref<!tpu.dma_semaphore, #tpu.memory_space<semaphore_mem>>
          %dma_start3A_113 = tpu.memref_slice %arg2[%mul3A_107] : memref<1003520xi32, #tpu.memory_space<hbm>> -> memref<4480xi32, #tpu.memory_space<hbm>>
          %dma_start3A_114 = tpu.memref_slice %arg2[%mul3A_107] : memref<1003520xi32, #tpu.memory_space<hbm>> -> memref<4480xi32, #tpu.memory_space<hbm>>
          tpu.enqueue_dma source(%dma_start3A_114 : memref<4480xi32, #tpu.memory_space<hbm>>) target(%arg7 : memref<4480xi32, #tpu.memory_space<vmem>>) target_semaphore(%run_scoped3A : memref<!tpu.dma_semaphore, #tpu.memory_space<semaphore_mem>>)
          %dma_wait3A_115 = tpu.memref_slice %arg2[%mul3A_107] : memref<1003520xi32, #tpu.memory_space<hbm>> -> memref<4480xi32, #tpu.memory_space<hbm>>
          %dma_wait3A_116 = tpu.memref_slice %arg2[%mul3A_107] : memref<1003520xi32, #tpu.memory_space<hbm>> -> memref<4480xi32, #tpu.memory_space<hbm>>
          tpu.wait_dma2 semaphore(%run_scoped3A : memref<!tpu.dma_semaphore, #tpu.memory_space<semaphore_mem>>) src(%dma_wait3A_116 : memref<4480xi32, #tpu.memory_space<hbm>>) dst(%arg7 : memref<4480xi32, #tpu.memory_space<vmem>>)
          tpu.yield
        }) : () -> ()
        %mul3A_108 = arith.constant 224 : i32
        %mul3A_109 = arith.muli %add3A_105, %mul3A_108 : i32
        "tpu.region"() ({
          %run_scoped3A = tpu.sem_alloc : memref<!tpu.dma_semaphore, #tpu.memory_space<semaphore_mem>>
          %dma_start3A_113 = tpu.memref_slice %arg3[%mul3A_109] : memref<50176xi32, #tpu.memory_space<hbm>> -> memref<224xi32, #tpu.memory_space<hbm>>
          %dma_start3A_114 = tpu.memref_slice %arg3[%mul3A_109] : memref<50176xi32, #tpu.memory_space<hbm>> -> memref<224xi32, #tpu.memory_space<hbm>>
          tpu.enqueue_dma source(%dma_start3A_114 : memref<224xi32, #tpu.memory_space<hbm>>) target(%arg9 : memref<224xi32, #tpu.memory_space<vmem>>) target_semaphore(%run_scoped3A : memref<!tpu.dma_semaphore, #tpu.memory_space<semaphore_mem>>)
          %dma_wait3A_115 = tpu.memref_slice %arg3[%mul3A_109] : memref<50176xi32, #tpu.memory_space<hbm>> -> memref<224xi32, #tpu.memory_space<hbm>>
          %dma_wait3A_116 = tpu.memref_slice %arg3[%mul3A_109] : memref<50176xi32, #tpu.memory_space<hbm>> -> memref<224xi32, #tpu.memory_space<hbm>>
          tpu.wait_dma2 semaphore(%run_scoped3A : memref<!tpu.dma_semaphore, #tpu.memory_space<semaphore_mem>>) src(%dma_wait3A_116 : memref<224xi32, #tpu.memory_space<hbm>>) dst(%arg9 : memref<224xi32, #tpu.memory_space<vmem>>)
          tpu.yield
        }) : () -> ()
        %dma_start3A_110 = arith.constant 0 : i32
        %dma_start3A_111 = arith.constant 0 : i32
        %dma_start3A_112 = tpu.memref_slice %arg5[%dma_start3A_110, %dma_start3A_111] : memref<1000x128xf32, #tpu.memory_space<hbm>> -> memref<1000x128xf32, #tpu.memory_space<hbm>>
        tpu.enqueue_indirect_dma source(%dma_start3A_112 : memref<1000x128xf32, #tpu.memory_space<hbm>>) target(%arg11 : memref<224x128xf32, #tpu.memory_space<vmem>>) offsets(%arg9 : memref<224xi32, #tpu.memory_space<vmem>>) semaphore(%arg15 : memref<!tpu.dma_semaphore, #tpu.memory_space<semaphore_mem>>)
      } else {
      }
      %scan3A_84 = arith.constant 0 : i32
      %scan3A_85 = arith.constant 0 : i32
      %scan3A_86 = arith.constant 20 : i32
      %scan3A_87 = arith.addi %scan3A_85, %scan3A_86 : i32
      %scan3A_88 = arith.constant 1 : i32
      %scan3A_89 = scf.for %scan3A_104 = %scan3A_85 to %scan3A_87 step %scan3A_88 iter_args(%scan3A_105 = %scan3A_84) -> (i32)  : i32 {
        %dma_wait3A_106 = arith.constant 0 : i32
        %dma_wait3A_107 = arith.constant 0 : i32
        %dma_wait3A_108 = tpu.memref_slice %arg4[%dma_wait3A_106, %dma_wait3A_107] : memref<100000x128xf32, #tpu.memory_space<hbm>> -> memref<224x128xf32, #tpu.memory_space<hbm>>
        %dma_wait3A_109 = arith.constant 0 : i32
        %dma_wait3A_110 = arith.constant 0 : i32
        %dma_wait3A_111 = tpu.memref_slice %arg4[%dma_wait3A_109, %dma_wait3A_110] : memref<100000x128xf32, #tpu.memory_space<hbm>> -> memref<224x128xf32, #tpu.memory_space<hbm>>
        tpu.wait_dma2 semaphore(%arg14 : memref<!tpu.dma_semaphore, #tpu.memory_space<semaphore_mem>>) src(%dma_wait3A_111 : memref<224x128xf32, #tpu.memory_space<hbm>>) dst(%arg12 : memref<224x128xf32, #tpu.memory_space<vmem>>)
        %scan3A_112 = arith.constant 0 : i32
        scf.yield %scan3A_112 : i32
      }
      %scan3A_90 = arith.constant 20 : i32
      %add3A_91 = arith.constant 1 : i32
      %add3A_92 = arith.addi %add3A_31, %add3A_91 : i32
      %ne3A_93 = arith.constant 223 : i32
      %ne3A_94 = arith.cmpi ne, %add3A_92, %ne3A_93 : i32
      %convert_element_type3A_95 = arith.extui %ne3A_94 : i1 to i32
      %cond3A_96 = arith.constant 0 : i32
      %cond3A_97 = arith.cmpi ne, %convert_element_type3A_95, %cond3A_96 : i32
      scf.if %cond3A_97 {
        %mul3A_104 = arith.constant 224 : i32
        %mul3A_105 = arith.muli %add3A_92, %mul3A_104 : i32
        "tpu.region"() ({
          %run_scoped3A = tpu.sem_alloc : memref<!tpu.dma_semaphore, #tpu.memory_space<semaphore_mem>>
          %dma_start3A_106 = arith.constant 0 : i32
          %dma_start3A_107 = tpu.memref_slice %arg6[%mul3A_105, %dma_start3A_106] : memref<50000x128xf32, #tpu.memory_space<hbm>> -> memref<224x128xf32, #tpu.memory_space<hbm>>
          %dma_start3A_108 = arith.constant 0 : i32
          %dma_start3A_109 = tpu.memref_slice %arg6[%mul3A_105, %dma_start3A_108] : memref<50000x128xf32, #tpu.memory_space<hbm>> -> memref<224x128xf32, #tpu.memory_space<hbm>>
          tpu.enqueue_dma source(%arg12 : memref<224x128xf32, #tpu.memory_space<vmem>>) target(%dma_start3A_109 : memref<224x128xf32, #tpu.memory_space<hbm>>) target_semaphore(%run_scoped3A : memref<!tpu.dma_semaphore, #tpu.memory_space<semaphore_mem>>)
          %dma_wait3A_110 = arith.constant 0 : i32
          %dma_wait3A_111 = tpu.memref_slice %arg6[%mul3A_105, %dma_wait3A_110] : memref<50000x128xf32, #tpu.memory_space<hbm>> -> memref<224x128xf32, #tpu.memory_space<hbm>>
          %dma_wait3A_112 = arith.constant 0 : i32
          %dma_wait3A_113 = tpu.memref_slice %arg6[%mul3A_105, %dma_wait3A_112] : memref<50000x128xf32, #tpu.memory_space<hbm>> -> memref<224x128xf32, #tpu.memory_space<hbm>>
          tpu.wait_dma2 semaphore(%run_scoped3A : memref<!tpu.dma_semaphore, #tpu.memory_space<semaphore_mem>>) src(%arg12 : memref<224x128xf32, #tpu.memory_space<vmem>>) dst(%dma_wait3A_113 : memref<224x128xf32, #tpu.memory_space<hbm>>)
          tpu.yield
        }) : () -> ()
      } else {
      }
      %eq3A_98 = arith.constant 223 : i32
      %eq3A_99 = arith.cmpi eq, %add3A_92, %eq3A_98 : i32
      %convert_element_type3A_100 = arith.extui %eq3A_99 : i1 to i32
      %cond3A_101 = arith.constant 0 : i32
      %cond3A_102 = arith.cmpi ne, %convert_element_type3A_100, %cond3A_101 : i32
      scf.if %cond3A_102 {
        %mul3A_104 = arith.constant 224 : i32
        %mul3A_105 = arith.muli %add3A_92, %mul3A_104 : i32
        "tpu.region"() ({
          %run_scoped3A = tpu.sem_alloc : memref<!tpu.dma_semaphore, #tpu.memory_space<semaphore_mem>>
          %dma_start3A_106 = arith.constant 0 : i32
          %dma_start3A_107 = arith.constant 0 : i32
          %dma_start3A_108 = tpu.memref_slice %arg12[%dma_start3A_106, %dma_start3A_107] : memref<224x128xf32, #tpu.memory_space<vmem>> -> memref<48x128xf32, #tpu.memory_space<vmem>>
          %dma_start3A_109 = arith.constant 0 : i32
          %dma_start3A_110 = tpu.memref_slice %arg6[%mul3A_105, %dma_start3A_109] : memref<50000x128xf32, #tpu.memory_space<hbm>> -> memref<48x128xf32, #tpu.memory_space<hbm>>
          %dma_start3A_111 = arith.constant 0 : i32
          %dma_start3A_112 = tpu.memref_slice %arg6[%mul3A_105, %dma_start3A_111] : memref<50000x128xf32, #tpu.memory_space<hbm>> -> memref<48x128xf32, #tpu.memory_space<hbm>>
          %dma_start3A_113 = arith.constant 0 : i32
          %dma_start3A_114 = arith.constant 0 : i32
          %dma_start3A_115 = tpu.memref_slice %arg12[%dma_start3A_113, %dma_start3A_114] : memref<224x128xf32, #tpu.memory_space<vmem>> -> memref<48x128xf32, #tpu.memory_space<vmem>>
          tpu.enqueue_dma source(%dma_start3A_115 : memref<48x128xf32, #tpu.memory_space<vmem>>) target(%dma_start3A_112 : memref<48x128xf32, #tpu.memory_space<hbm>>) target_semaphore(%run_scoped3A : memref<!tpu.dma_semaphore, #tpu.memory_space<semaphore_mem>>)
          %dma_wait3A_116 = arith.constant 0 : i32
          %dma_wait3A_117 = arith.constant 0 : i32
          %dma_wait3A_118 = tpu.memref_slice %arg12[%dma_wait3A_116, %dma_wait3A_117] : memref<224x128xf32, #tpu.memory_space<vmem>> -> memref<48x128xf32, #tpu.memory_space<vmem>>
          %dma_wait3A_119 = arith.constant 0 : i32
          %dma_wait3A_120 = tpu.memref_slice %arg6[%mul3A_105, %dma_wait3A_119] : memref<50000x128xf32, #tpu.memory_space<hbm>> -> memref<48x128xf32, #tpu.memory_space<hbm>>
          %dma_wait3A_121 = arith.constant 0 : i32
          %dma_wait3A_122 = tpu.memref_slice %arg6[%mul3A_105, %dma_wait3A_121] : memref<50000x128xf32, #tpu.memory_space<hbm>> -> memref<48x128xf32, #tpu.memory_space<hbm>>
          %dma_wait3A_123 = arith.constant 0 : i32
          %dma_wait3A_124 = arith.constant 0 : i32
          %dma_wait3A_125 = tpu.memref_slice %arg12[%dma_wait3A_123, %dma_wait3A_124] : memref<224x128xf32, #tpu.memory_space<vmem>> -> memref<48x128xf32, #tpu.memory_space<vmem>>
          tpu.wait_dma2 semaphore(%run_scoped3A : memref<!tpu.dma_semaphore, #tpu.memory_space<semaphore_mem>>) src(%dma_wait3A_125 : memref<48x128xf32, #tpu.memory_space<vmem>>) dst(%dma_wait3A_122 : memref<48x128xf32, #tpu.memory_space<hbm>>)
          tpu.yield
        }) : () -> ()
      } else {
      }
      %while3A_103 = arith.constant 0 : i32
      scf.yield %while3A_103 : i32
    }
    %while3A_25 = arith.constant 1 : i32
    %while3A_26 = scf.for %while3A_27 = %while3A_22 to %while3A_18 step %while3A_25 iter_args(%while3A_28 = %while3A_24) -> (i32)  : i32 {
      %mul3A_29 = arith.constant 2 : i32
      %mul3A_30 = arith.muli %mul3A_29, %while3A_27 : i32
      %add3A_31 = arith.addi %select_n3A_9, %mul3A_30 : i32
      %dma_wait3A = arith.constant 0 : i32
      %dma_wait3A_32 = arith.constant 0 : i32
      %dma_wait3A_33 = tpu.memref_slice %arg5[%dma_wait3A, %dma_wait3A_32] : memref<1000x128xf32, #tpu.memory_space<hbm>> -> memref<224x128xf32, #tpu.memory_space<hbm>>
      %dma_wait3A_34 = arith.constant 0 : i32
      %dma_wait3A_35 = arith.constant 0 : i32
      %dma_wait3A_36 = tpu.memref_slice %arg5[%dma_wait3A_34, %dma_wait3A_35] : memref<1000x128xf32, #tpu.memory_space<hbm>> -> memref<224x128xf32, #tpu.memory_space<hbm>>
      tpu.wait_dma2 semaphore(%arg15 : memref<!tpu.dma_semaphore, #tpu.memory_space<semaphore_mem>>) src(%dma_wait3A_36 : memref<224x128xf32, #tpu.memory_space<hbm>>) dst(%arg11 : memref<224x128xf32, #tpu.memory_space<vmem>>)
      %scan3A = arith.constant 0 : i32
      %scan3A_37 = arith.constant 0 : i32
      %scan3A_38 = arith.constant 20 : i32
      %scan3A_39 = arith.addi %scan3A_37, %scan3A_38 : i32
      %scan3A_40 = arith.constant 1 : i32
      %scan3A_41 = scf.for %scan3A_104 = %scan3A_37 to %scan3A_39 step %scan3A_40 iter_args(%scan3A_105 = %scan3A) -> (i32)  : i32 {
        %mul3A_106 = arith.constant 224 : i32
        %mul3A_107 = arith.muli %scan3A_104, %mul3A_106 : i32
        %dma_start3A_108 = tpu.memref_slice %arg7[%mul3A_107] : memref<4480xi32, #tpu.memory_space<vmem>> -> memref<224xi32, #tpu.memory_space<vmem>>
        %dma_start3A_109 = arith.constant 0 : i32
        %dma_start3A_110 = arith.constant 0 : i32
        %dma_start3A_111 = tpu.memref_slice %arg4[%dma_start3A_109, %dma_start3A_110] : memref<100000x128xf32, #tpu.memory_space<hbm>> -> memref<100000x128xf32, #tpu.memory_space<hbm>>
        tpu.enqueue_indirect_dma source(%dma_start3A_111 : memref<100000x128xf32, #tpu.memory_space<hbm>>) target(%arg11 : memref<224x128xf32, #tpu.memory_space<vmem>>) offsets(%dma_start3A_108 : memref<224xi32, #tpu.memory_space<vmem>>) semaphore(%arg13 : memref<!tpu.dma_semaphore, #tpu.memory_space<semaphore_mem>>) {add = true}
        %scan3A_112 = arith.constant 0 : i32
        scf.yield %scan3A_112 : i32
      }
      %scan3A_42 = arith.constant 20 : i32
      %add3A_43 = arith.constant 1 : i32
      %add3A_44 = arith.addi %add3A_31, %add3A_43 : i32
      %mul3A_45 = arith.constant 4480 : i32
      %mul3A_46 = arith.muli %add3A_44, %mul3A_45 : i32
      "tpu.region"() ({
        %run_scoped3A = tpu.sem_alloc : memref<!tpu.dma_semaphore, #tpu.memory_space<semaphore_mem>>
        %dma_start3A_104 = tpu.memref_slice %arg2[%mul3A_46] : memref<1003520xi32, #tpu.memory_space<hbm>> -> memref<4480xi32, #tpu.memory_space<hbm>>
        %dma_start3A_105 = tpu.memref_slice %arg2[%mul3A_46] : memref<1003520xi32, #tpu.memory_space<hbm>> -> memref<4480xi32, #tpu.memory_space<hbm>>
        tpu.enqueue_dma source(%dma_start3A_105 : memref<4480xi32, #tpu.memory_space<hbm>>) target(%arg8 : memref<4480xi32, #tpu.memory_space<vmem>>) target_semaphore(%run_scoped3A : memref<!tpu.dma_semaphore, #tpu.memory_space<semaphore_mem>>)
        %dma_wait3A_106 = tpu.memref_slice %arg2[%mul3A_46] : memref<1003520xi32, #tpu.memory_space<hbm>> -> memref<4480xi32, #tpu.memory_space<hbm>>
        %dma_wait3A_107 = tpu.memref_slice %arg2[%mul3A_46] : memref<1003520xi32, #tpu.memory_space<hbm>> -> memref<4480xi32, #tpu.memory_space<hbm>>
        tpu.wait_dma2 semaphore(%run_scoped3A : memref<!tpu.dma_semaphore, #tpu.memory_space<semaphore_mem>>) src(%dma_wait3A_107 : memref<4480xi32, #tpu.memory_space<hbm>>) dst(%arg8 : memref<4480xi32, #tpu.memory_space<vmem>>)
        tpu.yield
      }) : () -> ()
      %mul3A_47 = arith.constant 224 : i32
      %mul3A_48 = arith.muli %add3A_44, %mul3A_47 : i32
      "tpu.region"() ({
        %run_scoped3A = tpu.sem_alloc : memref<!tpu.dma_semaphore, #tpu.memory_space<semaphore_mem>>
        %dma_start3A_104 = tpu.memref_slice %arg3[%mul3A_48] : memref<50176xi32, #tpu.memory_space<hbm>> -> memref<224xi32, #tpu.memory_space<hbm>>
        %dma_start3A_105 = tpu.memref_slice %arg3[%mul3A_48] : memref<50176xi32, #tpu.memory_space<hbm>> -> memref<224xi32, #tpu.memory_space<hbm>>
        tpu.enqueue_dma source(%dma_start3A_105 : memref<224xi32, #tpu.memory_space<hbm>>) target(%arg10 : memref<224xi32, #tpu.memory_space<vmem>>) target_semaphore(%run_scoped3A : memref<!tpu.dma_semaphore, #tpu.memory_space<semaphore_mem>>)
        %dma_wait3A_106 = tpu.memref_slice %arg3[%mul3A_48] : memref<50176xi32, #tpu.memory_space<hbm>> -> memref<224xi32, #tpu.memory_space<hbm>>
        %dma_wait3A_107 = tpu.memref_slice %arg3[%mul3A_48] : memref<50176xi32, #tpu.memory_space<hbm>> -> memref<224xi32, #tpu.memory_space<hbm>>
        tpu.wait_dma2 semaphore(%run_scoped3A : memref<!tpu.dma_semaphore, #tpu.memory_space<semaphore_mem>>) src(%dma_wait3A_107 : memref<224xi32, #tpu.memory_space<hbm>>) dst(%arg10 : memref<224xi32, #tpu.memory_space<vmem>>)
        tpu.yield
      }) : () -> ()
      %dma_start3A_49 = arith.constant 0 : i32
      %dma_start3A_50 = arith.constant 0 : i32
      %dma_start3A_51 = tpu.memref_slice %arg5[%dma_start3A_49, %dma_start3A_50] : memref<1000x128xf32, #tpu.memory_space<hbm>> -> memref<1000x128xf32, #tpu.memory_space<hbm>>
      tpu.enqueue_indirect_dma source(%dma_start3A_51 : memref<1000x128xf32, #tpu.memory_space<hbm>>) target(%arg12 : memref<224x128xf32, #tpu.memory_space<vmem>>) offsets(%arg10 : memref<224xi32, #tpu.memory_space<vmem>>) semaphore(%arg16 : memref<!tpu.dma_semaphore, #tpu.memory_space<semaphore_mem>>)
      %dma_wait3A_52 = arith.constant 0 : i32
      %dma_wait3A_53 = arith.constant 0 : i32
      %dma_wait3A_54 = tpu.memref_slice %arg5[%dma_wait3A_52, %dma_wait3A_53] : memref<1000x128xf32, #tpu.memory_space<hbm>> -> memref<224x128xf32, #tpu.memory_space<hbm>>
      %dma_wait3A_55 = arith.constant 0 : i32
      %dma_wait3A_56 = arith.constant 0 : i32
      %dma_wait3A_57 = tpu.memref_slice %arg5[%dma_wait3A_55, %dma_wait3A_56] : memref<1000x128xf32, #tpu.memory_space<hbm>> -> memref<224x128xf32, #tpu.memory_space<hbm>>
      tpu.wait_dma2 semaphore(%arg16 : memref<!tpu.dma_semaphore, #tpu.memory_space<semaphore_mem>>) src(%dma_wait3A_57 : memref<224x128xf32, #tpu.memory_space<hbm>>) dst(%arg12 : memref<224x128xf32, #tpu.memory_space<vmem>>)
      %scan3A_58 = arith.constant 0 : i32
      %scan3A_59 = arith.constant 0 : i32
      %scan3A_60 = arith.constant 20 : i32
      %scan3A_61 = arith.addi %scan3A_59, %scan3A_60 : i32
      %scan3A_62 = arith.constant 1 : i32
      %scan3A_63 = scf.for %scan3A_104 = %scan3A_59 to %scan3A_61 step %scan3A_62 iter_args(%scan3A_105 = %scan3A_58) -> (i32)  : i32 {
        %mul3A_106 = arith.constant 224 : i32
        %mul3A_107 = arith.muli %scan3A_104, %mul3A_106 : i32
        %dma_start3A_108 = tpu.memref_slice %arg8[%mul3A_107] : memref<4480xi32, #tpu.memory_space<vmem>> -> memref<224xi32, #tpu.memory_space<vmem>>
        %dma_start3A_109 = arith.constant 0 : i32
        %dma_start3A_110 = arith.constant 0 : i32
        %dma_start3A_111 = tpu.memref_slice %arg4[%dma_start3A_109, %dma_start3A_110] : memref<100000x128xf32, #tpu.memory_space<hbm>> -> memref<100000x128xf32, #tpu.memory_space<hbm>>
        tpu.enqueue_indirect_dma source(%dma_start3A_111 : memref<100000x128xf32, #tpu.memory_space<hbm>>) target(%arg12 : memref<224x128xf32, #tpu.memory_space<vmem>>) offsets(%dma_start3A_108 : memref<224xi32, #tpu.memory_space<vmem>>) semaphore(%arg14 : memref<!tpu.dma_semaphore, #tpu.memory_space<semaphore_mem>>) {add = true}
        %scan3A_112 = arith.constant 0 : i32
        scf.yield %scan3A_112 : i32
      }
      %scan3A_64 = arith.constant 20 : i32
      %scan3A_65 = arith.constant 0 : i32
      %scan3A_66 = arith.constant 0 : i32
      %scan3A_67 = arith.constant 20 : i32
      %scan3A_68 = arith.addi %scan3A_66, %scan3A_67 : i32
      %scan3A_69 = arith.constant 1 : i32
      %scan3A_70 = scf.for %scan3A_104 = %scan3A_66 to %scan3A_68 step %scan3A_69 iter_args(%scan3A_105 = %scan3A_65) -> (i32)  : i32 {
        %dma_wait3A_106 = arith.constant 0 : i32
        %dma_wait3A_107 = arith.constant 0 : i32
        %dma_wait3A_108 = tpu.memref_slice %arg4[%dma_wait3A_106, %dma_wait3A_107] : memref<100000x128xf32, #tpu.memory_space<hbm>> -> memref<224x128xf32, #tpu.memory_space<hbm>>
        %dma_wait3A_109 = arith.constant 0 : i32
        %dma_wait3A_110 = arith.constant 0 : i32
        %dma_wait3A_111 = tpu.memref_slice %arg4[%dma_wait3A_109, %dma_wait3A_110] : memref<100000x128xf32, #tpu.memory_space<hbm>> -> memref<224x128xf32, #tpu.memory_space<hbm>>
        tpu.wait_dma2 semaphore(%arg13 : memref<!tpu.dma_semaphore, #tpu.memory_space<semaphore_mem>>) src(%dma_wait3A_111 : memref<224x128xf32, #tpu.memory_space<hbm>>) dst(%arg11 : memref<224x128xf32, #tpu.memory_space<vmem>>)
        %scan3A_112 = arith.constant 0 : i32
        scf.yield %scan3A_112 : i32
      }
      %scan3A_71 = arith.constant 20 : i32
      %ne3A = arith.constant 223 : i32
      %ne3A_72 = arith.cmpi ne, %add3A_31, %ne3A : i32
      %convert_element_type3A = arith.extui %ne3A_72 : i1 to i32
      %cond3A = arith.constant 0 : i32
      %cond3A_73 = arith.cmpi ne, %convert_element_type3A, %cond3A : i32
      scf.if %cond3A_73 {
        %mul3A_104 = arith.constant 224 : i32
        %mul3A_105 = arith.muli %add3A_31, %mul3A_104 : i32
        "tpu.region"() ({
          %run_scoped3A = tpu.sem_alloc : memref<!tpu.dma_semaphore, #tpu.memory_space<semaphore_mem>>
          %dma_start3A_106 = arith.constant 0 : i32
          %dma_start3A_107 = tpu.memref_slice %arg6[%mul3A_105, %dma_start3A_106] : memref<50000x128xf32, #tpu.memory_space<hbm>> -> memref<224x128xf32, #tpu.memory_space<hbm>>
          %dma_start3A_108 = arith.constant 0 : i32
          %dma_start3A_109 = tpu.memref_slice %arg6[%mul3A_105, %dma_start3A_108] : memref<50000x128xf32, #tpu.memory_space<hbm>> -> memref<224x128xf32, #tpu.memory_space<hbm>>
          tpu.enqueue_dma source(%arg11 : memref<224x128xf32, #tpu.memory_space<vmem>>) target(%dma_start3A_109 : memref<224x128xf32, #tpu.memory_space<hbm>>) target_semaphore(%run_scoped3A : memref<!tpu.dma_semaphore, #tpu.memory_space<semaphore_mem>>)
          %dma_wait3A_110 = arith.constant 0 : i32
          %dma_wait3A_111 = tpu.memref_slice %arg6[%mul3A_105, %dma_wait3A_110] : memref<50000x128xf32, #tpu.memory_space<hbm>> -> memref<224x128xf32, #tpu.memory_space<hbm>>
          %dma_wait3A_112 = arith.constant 0 : i32
          %dma_wait3A_113 = tpu.memref_slice %arg6[%mul3A_105, %dma_wait3A_112] : memref<50000x128xf32, #tpu.memory_space<hbm>> -> memref<224x128xf32, #tpu.memory_space<hbm>>
          tpu.wait_dma2 semaphore(%run_scoped3A : memref<!tpu.dma_semaphore, #tpu.memory_space<semaphore_mem>>) src(%arg11 : memref<224x128xf32, #tpu.memory_space<vmem>>) dst(%dma_wait3A_113 : memref<224x128xf32, #tpu.memory_space<hbm>>)
          tpu.yield
        }) : () -> ()
      } else {
      }
      %eq3A_74 = arith.constant 223 : i32
      %eq3A_75 = arith.cmpi eq, %add3A_31, %eq3A_74 : i32
      %convert_element_type3A_76 = arith.extui %eq3A_75 : i1 to i32
      %cond3A_77 = arith.constant 0 : i32
      %cond3A_78 = arith.cmpi ne, %convert_element_type3A_76, %cond3A_77 : i32
      scf.if %cond3A_78 {
        %mul3A_104 = arith.constant 224 : i32
        %mul3A_105 = arith.muli %add3A_31, %mul3A_104 : i32
        "tpu.region"() ({
          %run_scoped3A = tpu.sem_alloc : memref<!tpu.dma_semaphore, #tpu.memory_space<semaphore_mem>>
          %dma_start3A_106 = arith.constant 0 : i32
          %dma_start3A_107 = arith.constant 0 : i32
          %dma_start3A_108 = tpu.memref_slice %arg11[%dma_start3A_106, %dma_start3A_107] : memref<224x128xf32, #tpu.memory_space<vmem>> -> memref<48x128xf32, #tpu.memory_space<vmem>>
          %dma_start3A_109 = arith.constant 0 : i32
          %dma_start3A_110 = tpu.memref_slice %arg6[%mul3A_105, %dma_start3A_109] : memref<50000x128xf32, #tpu.memory_space<hbm>> -> memref<48x128xf32, #tpu.memory_space<hbm>>
          %dma_start3A_111 = arith.constant 0 : i32
          %dma_start3A_112 = tpu.memref_slice %arg6[%mul3A_105, %dma_start3A_111] : memref<50000x128xf32, #tpu.memory_space<hbm>> -> memref<48x128xf32, #tpu.memory_space<hbm>>
          %dma_start3A_113 = arith.constant 0 : i32
          %dma_start3A_114 = arith.constant 0 : i32
          %dma_start3A_115 = tpu.memref_slice %arg11[%dma_start3A_113, %dma_start3A_114] : memref<224x128xf32, #tpu.memory_space<vmem>> -> memref<48x128xf32, #tpu.memory_space<vmem>>
          tpu.enqueue_dma source(%dma_start3A_115 : memref<48x128xf32, #tpu.memory_space<vmem>>) target(%dma_start3A_112 : memref<48x128xf32, #tpu.memory_space<hbm>>) target_semaphore(%run_scoped3A : memref<!tpu.dma_semaphore, #tpu.memory_space<semaphore_mem>>)
          %dma_wait3A_116 = arith.constant 0 : i32
          %dma_wait3A_117 = arith.constant 0 : i32
          %dma_wait3A_118 = tpu.memref_slice %arg11[%dma_wait3A_116, %dma_wait3A_117] : memref<224x128xf32, #tpu.memory_space<vmem>> -> memref<48x128xf32, #tpu.memory_space<vmem>>
          %dma_wait3A_119 = arith.constant 0 : i32
          %dma_wait3A_120 = tpu.memref_slice %arg6[%mul3A_105, %dma_wait3A_119] : memref<50000x128xf32, #tpu.memory_space<hbm>> -> memref<48x128xf32, #tpu.memory_space<hbm>>
          %dma_wait3A_121 = arith.constant 0 : i32
          %dma_wait3A_122 = tpu.memref_slice %arg6[%mul3A_105, %dma_wait3A_121] : memref<50000x128xf32, #tpu.memory_space<hbm>> -> memref<48x128xf32, #tpu.memory_space<hbm>>
          %dma_wait3A_123 = arith.constant 0 : i32
          %dma_wait3A_124 = arith.constant 0 : i32
          %dma_wait3A_125 = tpu.memref_slice %arg11[%dma_wait3A_123, %dma_wait3A_124] : memref<224x128xf32, #tpu.memory_space<vmem>> -> memref<48x128xf32, #tpu.memory_space<vmem>>
          tpu.wait_dma2 semaphore(%run_scoped3A : memref<!tpu.dma_semaphore, #tpu.memory_space<semaphore_mem>>) src(%dma_wait3A_125 : memref<48x128xf32, #tpu.memory_space<vmem>>) dst(%dma_wait3A_122 : memref<48x128xf32, #tpu.memory_space<hbm>>)
          tpu.yield
        }) : () -> ()
      } else {
      }
      %add3A_79 = arith.constant 1 : i32
      %add3A_80 = arith.addi %while3A_27, %add3A_79 : i32
      %lt3A = arith.cmpi slt, %add3A_80, %select_n3A_2 : i32
      %convert_element_type3A_81 = arith.extui %lt3A : i1 to i32
      %cond3A_82 = arith.constant 0 : i32
      %cond3A_83 = arith.cmpi ne, %convert_element_type3A_81, %cond3A_82 : i32
      scf.if %cond3A_83 {
        %add3A_104 = arith.constant 2 : i32
        %add3A_105 = arith.addi %add3A_31, %add3A_104 : i32
        %mul3A_106 = arith.constant 4480 : i32
        %mul3A_107 = arith.muli %add3A_105, %mul3A_106 : i32
        "tpu.region"() ({
          %run_scoped3A = tpu.sem_alloc : memref<!tpu.dma_semaphore, #tpu.memory_space<semaphore_mem>>
          %dma_start3A_113 = tpu.memref_slice %arg2[%mul3A_107] : memref<1003520xi32, #tpu.memory_space<hbm>> -> memref<4480xi32, #tpu.memory_space<hbm>>
          %dma_start3A_114 = tpu.memref_slice %arg2[%mul3A_107] : memref<1003520xi32, #tpu.memory_space<hbm>> -> memref<4480xi32, #tpu.memory_space<hbm>>
          tpu.enqueue_dma source(%dma_start3A_114 : memref<4480xi32, #tpu.memory_space<hbm>>) target(%arg7 : memref<4480xi32, #tpu.memory_space<vmem>>) target_semaphore(%run_scoped3A : memref<!tpu.dma_semaphore, #tpu.memory_space<semaphore_mem>>)
          %dma_wait3A_115 = tpu.memref_slice %arg2[%mul3A_107] : memref<1003520xi32, #tpu.memory_space<hbm>> -> memref<4480xi32, #tpu.memory_space<hbm>>
          %dma_wait3A_116 = tpu.memref_slice %arg2[%mul3A_107] : memref<1003520xi32, #tpu.memory_space<hbm>> -> memref<4480xi32, #tpu.memory_space<hbm>>
          tpu.wait_dma2 semaphore(%run_scoped3A : memref<!tpu.dma_semaphore, #tpu.memory_space<semaphore_mem>>) src(%dma_wait3A_116 : memref<4480xi32, #tpu.memory_space<hbm>>) dst(%arg7 : memref<4480xi32, #tpu.memory_space<vmem>>)
          tpu.yield
        }) : () -> ()
        %mul3A_108 = arith.constant 224 : i32
        %mul3A_109 = arith.muli %add3A_105, %mul3A_108 : i32
        "tpu.region"() ({
          %run_scoped3A = tpu.sem_alloc : memref<!tpu.dma_semaphore, #tpu.memory_space<semaphore_mem>>
          %dma_start3A_113 = tpu.memref_slice %arg3[%mul3A_109] : memref<50176xi32, #tpu.memory_space<hbm>> -> memref<224xi32, #tpu.memory_space<hbm>>
          %dma_start3A_114 = tpu.memref_slice %arg3[%mul3A_109] : memref<50176xi32, #tpu.memory_space<hbm>> -> memref<224xi32, #tpu.memory_space<hbm>>
          tpu.enqueue_dma source(%dma_start3A_114 : memref<224xi32, #tpu.memory_space<hbm>>) target(%arg9 : memref<224xi32, #tpu.memory_space<vmem>>) target_semaphore(%run_scoped3A : memref<!tpu.dma_semaphore, #tpu.memory_space<semaphore_mem>>)
          %dma_wait3A_115 = tpu.memref_slice %arg3[%mul3A_109] : memref<50176xi32, #tpu.memory_space<hbm>> -> memref<224xi32, #tpu.memory_space<hbm>>
          %dma_wait3A_116 = tpu.memref_slice %arg3[%mul3A_109] : memref<50176xi32, #tpu.memory_space<hbm>> -> memref<224xi32, #tpu.memory_space<hbm>>
          tpu.wait_dma2 semaphore(%run_scoped3A : memref<!tpu.dma_semaphore, #tpu.memory_space<semaphore_mem>>) src(%dma_wait3A_116 : memref<224xi32, #tpu.memory_space<hbm>>) dst(%arg9 : memref<224xi32, #tpu.memory_space<vmem>>)
          tpu.yield
        }) : () -> ()
        %dma_start3A_110 = arith.constant 0 : i32
        %dma_start3A_111 = arith.constant 0 : i32
        %dma_start3A_112 = tpu.memref_slice %arg5[%dma_start3A_110, %dma_start3A_111] : memref<1000x128xf32, #tpu.memory_space<hbm>> -> memref<1000x128xf32, #tpu.memory_space<hbm>>
        tpu.enqueue_indirect_dma source(%dma_start3A_112 : memref<1000x128xf32, #tpu.memory_space<hbm>>) target(%arg11 : memref<224x128xf32, #tpu.memory_space<vmem>>) offsets(%arg9 : memref<224xi32, #tpu.memory_space<vmem>>) semaphore(%arg15 : memref<!tpu.dma_semaphore, #tpu.memory_space<semaphore_mem>>)
      } else {
      }
      %scan3A_84 = arith.constant 0 : i32
      %scan3A_85 = arith.constant 0 : i32
      %scan3A_86 = arith.constant 20 : i32
      %scan3A_87 = arith.addi %scan3A_85, %scan3A_86 : i32
      %scan3A_88 = arith.constant 1 : i32
      %scan3A_89 = scf.for %scan3A_104 = %scan3A_85 to %scan3A_87 step %scan3A_88 iter_args(%scan3A_105 = %scan3A_84) -> (i32)  : i32 {
        %dma_wait3A_106 = arith.constant 0 : i32
        %dma_wait3A_107 = arith.constant 0 : i32
        %dma_wait3A_108 = tpu.memref_slice %arg4[%dma_wait3A_106, %dma_wait3A_107] : memref<100000x128xf32, #tpu.memory_space<hbm>> -> memref<224x128xf32, #tpu.memory_space<hbm>>
        %dma_wait3A_109 = arith.constant 0 : i32
        %dma_wait3A_110 = arith.constant 0 : i32
        %dma_wait3A_111 = tpu.memref_slice %arg4[%dma_wait3A_109, %dma_wait3A_110] : memref<100000x128xf32, #tpu.memory_space<hbm>> -> memref<224x128xf32, #tpu.memory_space<hbm>>
        tpu.wait_dma2 semaphore(%arg14 : memref<!tpu.dma_semaphore, #tpu.memory_space<semaphore_mem>>) src(%dma_wait3A_111 : memref<224x128xf32, #tpu.memory_space<hbm>>) dst(%arg12 : memref<224x128xf32, #tpu.memory_space<vmem>>)
        %scan3A_112 = arith.constant 0 : i32
        scf.yield %scan3A_112 : i32
      }
      %scan3A_90 = arith.constant 20 : i32
      %add3A_91 = arith.constant 1 : i32
      %add3A_92 = arith.addi %add3A_31, %add3A_91 : i32
      %ne3A_93 = arith.constant 223 : i32
      %ne3A_94 = arith.cmpi ne, %add3A_92, %ne3A_93 : i32
      %convert_element_type3A_95 = arith.extui %ne3A_94 : i1 to i32
      %cond3A_96 = arith.constant 0 : i32
      %cond3A_97 = arith.cmpi ne, %convert_element_type3A_95, %cond3A_96 : i32
      scf.if %cond3A_97 {
        %mul3A_104 = arith.constant 224 : i32
        %mul3A_105 = arith.muli %add3A_92, %mul3A_104 : i32
        "tpu.region"() ({
          %run_scoped3A = tpu.sem_alloc : memref<!tpu.dma_semaphore, #tpu.memory_space<semaphore_mem>>
          %dma_start3A_106 = arith.constant 0 : i32
          %dma_start3A_107 = tpu.memref_slice %arg6[%mul3A_105, %dma_start3A_106] : memref<50000x128xf32, #tpu.memory_space<hbm>> -> memref<224x128xf32, #tpu.memory_space<hbm>>
          %dma_start3A_108 = arith.constant 0 : i32
          %dma_start3A_109 = tpu.memref_slice %arg6[%mul3A_105, %dma_start3A_108] : memref<50000x128xf32, #tpu.memory_space<hbm>> -> memref<224x128xf32, #tpu.memory_space<hbm>>
          tpu.enqueue_dma source(%arg12 : memref<224x128xf32, #tpu.memory_space<vmem>>) target(%dma_start3A_109 : memref<224x128xf32, #tpu.memory_space<hbm>>) target_semaphore(%run_scoped3A : memref<!tpu.dma_semaphore, #tpu.memory_space<semaphore_mem>>)
          %dma_wait3A_110 = arith.constant 0 : i32
          %dma_wait3A_111 = tpu.memref_slice %arg6[%mul3A_105, %dma_wait3A_110] : memref<50000x128xf32, #tpu.memory_space<hbm>> -> memref<224x128xf32, #tpu.memory_space<hbm>>
          %dma_wait3A_112 = arith.constant 0 : i32
          %dma_wait3A_113 = tpu.memref_slice %arg6[%mul3A_105, %dma_wait3A_112] : memref<50000x128xf32, #tpu.memory_space<hbm>> -> memref<224x128xf32, #tpu.memory_space<hbm>>
          tpu.wait_dma2 semaphore(%run_scoped3A : memref<!tpu.dma_semaphore, #tpu.memory_space<semaphore_mem>>) src(%arg12 : memref<224x128xf32, #tpu.memory_space<vmem>>) dst(%dma_wait3A_113 : memref<224x128xf32, #tpu.memory_space<hbm>>)
          tpu.yield
        }) : () -> ()
      } else {
      }
      %eq3A_98 = arith.constant 223 : i32
      %eq3A_99 = arith.cmpi eq, %add3A_92, %eq3A_98 : i32
      %convert_element_type3A_100 = arith.extui %eq3A_99 : i1 to i32
      %cond3A_101 = arith.constant 0 : i32
      %cond3A_102 = arith.cmpi ne, %convert_element_type3A_100, %cond3A_101 : i32
      scf.if %cond3A_102 {
        %mul3A_104 = arith.constant 224 : i32
        %mul3A_105 = arith.muli %add3A_92, %mul3A_104 : i32
        "tpu.region"() ({
          %run_scoped3A = tpu.sem_alloc : memref<!tpu.dma_semaphore, #tpu.memory_space<semaphore_mem>>
          %dma_start3A_106 = arith.constant 0 : i32
          %dma_start3A_107 = arith.constant 0 : i32
          %dma_start3A_108 = tpu.memref_slice %arg12[%dma_start3A_106, %dma_start3A_107] : memref<224x128xf32, #tpu.memory_space<vmem>> -> memref<48x128xf32, #tpu.memory_space<vmem>>
          %dma_start3A_109 = arith.constant 0 : i32
          %dma_start3A_110 = tpu.memref_slice %arg6[%mul3A_105, %dma_start3A_109] : memref<50000x128xf32, #tpu.memory_space<hbm>> -> memref<48x128xf32, #tpu.memory_space<hbm>>
          %dma_start3A_111 = arith.constant 0 : i32
          %dma_start3A_112 = tpu.memref_slice %arg6[%mul3A_105, %dma_start3A_111] : memref<50000x128xf32, #tpu.memory_space<hbm>> -> memref<48x128xf32, #tpu.memory_space<hbm>>
          %dma_start3A_113 = arith.constant 0 : i32
          %dma_start3A_114 = arith.constant 0 : i32
          %dma_start3A_115 = tpu.memref_slice %arg12[%dma_start3A_113, %dma_start3A_114] : memref<224x128xf32, #tpu.memory_space<vmem>> -> memref<48x128xf32, #tpu.memory_space<vmem>>
          tpu.enqueue_dma source(%dma_start3A_115 : memref<48x128xf32, #tpu.memory_space<vmem>>) target(%dma_start3A_112 : memref<48x128xf32, #tpu.memory_space<hbm>>) target_semaphore(%run_scoped3A : memref<!tpu.dma_semaphore, #tpu.memory_space<semaphore_mem>>)
          %dma_wait3A_116 = arith.constant 0 : i32
          %dma_wait3A_117 = arith.constant 0 : i32
          %dma_wait3A_118 = tpu.memref_slice %arg12[%dma_wait3A_116, %dma_wait3A_117] : memref<224x128xf32, #tpu.memory_space<vmem>> -> memref<48x128xf32, #tpu.memory_space<vmem>>
          %dma_wait3A_119 = arith.constant 0 : i32
          %dma_wait3A_120 = tpu.memref_slice %arg6[%mul3A_105, %dma_wait3A_119] : memref<50000x128xf32, #tpu.memory_space<hbm>> -> memref<48x128xf32, #tpu.memory_space<hbm>>
          %dma_wait3A_121 = arith.constant 0 : i32
          %dma_wait3A_122 = tpu.memref_slice %arg6[%mul3A_105, %dma_wait3A_121] : memref<50000x128xf32, #tpu.memory_space<hbm>> -> memref<48x128xf32, #tpu.memory_space<hbm>>
          %dma_wait3A_123 = arith.constant 0 : i32
          %dma_wait3A_124 = arith.constant 0 : i32
          %dma_wait3A_125 = tpu.memref_slice %arg12[%dma_wait3A_123, %dma_wait3A_124] : memref<224x128xf32, #tpu.memory_space<vmem>> -> memref<48x128xf32, #tpu.memory_space<vmem>>
          tpu.wait_dma2 semaphore(%run_scoped3A : memref<!tpu.dma_semaphore, #tpu.memory_space<semaphore_mem>>) src(%dma_wait3A_125 : memref<48x128xf32, #tpu.memory_space<vmem>>) dst(%dma_wait3A_122 : memref<48x128xf32, #tpu.memory_space<hbm>>)
          tpu.yield
        }) : () -> ()
      } else {
      }
      %while3A_103 = arith.constant 0 : i32
      scf.yield %while3A_103 : i32
    }
    return
  }
}

</mosaic_0001>

<sc_bundles>
// kernel: kernel.3.cloned.1.call-start
scs
__scs_entry_jumppad:
0x0: {  	(pc) =	sbr.rel $0x88, $3  }
0x1: {  	(tag) =	ssettag $0x0;
	lr =	simm.s32 $0x1  }
0x2: {  	[smem:$0x3F9D] =	sst lr;
	_ =	strace $0xD0000000  }
0x3: {  	_ = 	snop  }
0x4: {  	_ = 	snop  }
0x5: {  	_ = 	snop  }
0x6: {  	_ = 	snop  }
0x7: {  	_ = 	snop  }
__scs_overlays_trampoline_lowered:
0x8: {  	[smem:$0x3FAC] =	sst s0  }
0x9: {  	[smem:$0x3FAD] =	sst s1  }
0xa: {  	[smem:$0x3FAE] =	sst s2  }
0xb: {  	[smem:$0x3FAF] =	sst s3  }
0xc: {  	[smem:$0x3FB0] =	sst s4  }
0xd: {  	[smem:$0x3FB1] =	sst s5  }
0xe: {  	[smem:$0x3FB2] =	sst s6  }
0xf: {  	[smem:$0x3FB3] =	sst s7  }
0x10: {  	[smem:$0x3FB4] =	sst s8  }
0x11: {  	[smem:$0x3FB5] =	sst s9;
	s0 =	simm.s32 @!p0 $0x0  }
0x12: {  	s1 =	sld [smem:$0x3F9B];
	s0 =	simm.s32 @p0 $0x1  }
0x13: {  	[smem:$0x3FB6] =	sst s0;
	s0 =	simm.s32 @!p1 $0x0  }
0x14: {  	s2 =	sld [smem:$0x3F9A];
	s0 =	simm.s32 @p1 $0x1  }
0x15: {  	[smem:$0x3FB7] =	sst s0;
	s0 =	simm.s32 @!p2 $0x0  }
0x16: {  	s3 =	sld [smem:$0x3FDB];
	s0 =	simm.s32 @p2 $0x1  }
0x17: {  	s4 =	simm.s32 $0x1BF5;
	[smem:$0x3FB9] =	sst s0  }
0x18: {  	s0 =	sld [smem:$0x3F9C];
	_ =	swait.ge [sflag:s4], $0x0  }
0x19: {  	s7 =	sld [smem:$0x3F9D]  }
0x1a: {  	s8 =	sadd.s32 $0xFFFFE003, lr  }
0x1b: {  	s9 =	sadd.s32 $0xFFFFFEF7, lr;
	s5 =	simm.s32 $0xFFFFFFFF;
	p2 =	slt.u32 s8, $0xFFFFF086  }
0x1c: {  	p1 =	slt.u32 s9, $0xF7A;
	s5 =	simm.s32 @!p2 $0x0  }
0x1d: {  	s5 =	simm.s32 @p1 $0x1;
	p0 =	seq.s32 s7, s2  }
0x1e: {  	s7 =	smul.u32 @!p0 $0xF7A, s2;
	p2 =	seq.s32 @!p0 s5, $0x0  }
0x1f: {  	s9 =	smul.u32 $0xF7A, s1;
	s8 =	simm.s32 @!p0 $0x1BF5;
	p2 =	por !p2, p0  }
0x20: {  	[sflag:s8] =	ssyncset.s32 @!p0 $0xFFFFF086;
	s6 =	sadd.s32 @!p0 s3, s7;
	s7 =	simm.s32 @!p0 $0x108  }
0x21: {  	s3 =	sadd.s32 s3, s9;
	s6 =	sadd.s32 @!p0 $0x88, s6;
	s7 =	simm.s32 @p2 $0x1082  }
0x22: {  	[simem:s7], [sflag:s8] =	dma.local @!p0 [hbm:s6], $0xF7A  }
0x23: {  	s9 =	sor.u32 $0xD0000000, s2;
	s6 =	simm.s32 $0x108;
	_ =	swait.ge @!p0 [sflag:s8], $0x0  }
0x24: {  	s3 =	sadd.s32 $0x88, s3;
	s6 =	simm.s32 @!p1 $0x1082;
	[sflag:s4] =	ssyncset.s32 $0xFFFFF086  }
0x25: {  	[simem:s6], [sflag:s4] =	dma.local [hbm:s3], $0xF7A  }
0x26: {  	[smem:$0x3F9D] =	sst s1;
	(tag) =	ssettag s2;
	_ =	strace s9  }
0x27: {  	s1 =	sld [smem:$0x3FAD]  }
0x28: {  	s2 =	sld [smem:$0x3FAE]  }
0x29: {  	s4 =	sld [smem:$0x3FB0]  }
0x2a: {  	p0 =	seq.s32 s5, $0x0;
	s5 =	sld [smem:$0x3FB1]  }
0x2b: {  	s6 =	sld [smem:$0x3FB2]  }
0x2c: {  	s7 =	sld [smem:$0x3FB3]  }
0x2d: {  	s3 =	simm.s32 $0x108;
	s8 =	sld [smem:$0x3FB4]  }
0x2e: {  	s3 =	simm.s32 @!p0 $0x1082;
	s9 =	sld [smem:$0x3FB5]  }
0x2f: {  	lr =	sadd.s32 s0, s3;
	s0 =	sld [smem:$0x3FAC]  }
0x30: {  	s3 =	sld [smem:$0x3FAF]  }
0x31: {  	[smem:$0x3FB8] =	sst s10  }
0x32: {  	s10 =	sld [smem:$0x3FB6];
	_ =	sdelay $0x3  }
0x33: {  	p0 =	seq.s32 s10, $0x1;
	s10 =	sld [smem:$0x3FB8];
	_ =	sdelay $0x3  }
0x34: {  	[smem:$0x3FB8] =	sst s10  }
0x35: {  	s10 =	sld [smem:$0x3FB7];
	_ =	sdelay $0x3  }
0x36: {  	p1 =	seq.s32 s10, $0x1;
	s10 =	sld [smem:$0x3FB8];
	_ =	sdelay $0x3  }
0x37: {  	[smem:$0x3FB8] =	sst s10  }
0x38: {  	s10 =	sld [smem:$0x3FB9]  }
0x39: {  	_ = 	snop;
	(pc) =	sbr.ind lr, $3  }
0x3a: {  	_ = 	snop  }
0x3b: {  	_ = 	snop  }
0x3c: {  	p2 =	seq.s32 s10, $0x1;
	s10 =	sld [smem:$0x3FB8]  }
0x3d: {  	_ =	shalt  }
0x3e: {  	_ =	shalt  }
0x3f: {  	_ =	shalt  }
0x40: {  	_ =	shalt  }
0x41: {  	_ =	shalt  }
0x42: {  	_ =	shalt  }
0x43: {  	_ =	shalt  }
0x44: {  	_ =	shalt  }
0x45: {  	_ =	shalt  }
0x46: {  	_ =	shalt  }
0x47: {  	_ =	shalt  }
0x48: {  	_ =	shalt  }
0x49: {  	_ =	shalt  }
0x4a: {  	_ =	shalt  }
0x4b: {  	_ =	shalt  }
0x4c: {  	_ =	shalt  }
0x4d: {  	_ =	shalt  }
0x4e: {  	_ =	shalt  }
0x4f: {  	_ =	shalt  }
0x50: {  	_ =	shalt  }
0x51: {  	_ =	shalt  }
0x52: {  	_ =	shalt  }
0x53: {  	_ =	shalt  }
0x54: {  	_ =	shalt  }
0x55: {  	_ =	shalt  }
0x56: {  	_ =	shalt  }
0x57: {  	_ =	shalt  }
0x58: {  	_ =	shalt  }
0x59: {  	_ =	shalt  }
0x5a: {  	_ =	shalt  }
0x5b: {  	_ =	shalt  }
0x5c: {  	_ =	shalt  }
0x5d: {  	_ =	shalt  }
0x5e: {  	_ =	shalt  }
0x5f: {  	_ =	shalt  }
0x60: {  	_ =	shalt  }
0x61: {  	_ =	shalt  }
0x62: {  	_ =	shalt  }
0x63: {  	_ =	shalt  }
0x64: {  	_ =	shalt  }
0x65: {  	_ =	shalt  }
0x66: {  	_ =	shalt  }
0x67: {  	_ =	shalt  }
0x68: {  	_ =	shalt  }
0x69: {  	_ =	shalt  }
0x6a: {  	_ =	shalt  }
0x6b: {  	_ =	shalt  }
0x6c: {  	_ =	shalt  }
0x6d: {  	_ =	shalt  }
0x6e: {  	_ =	shalt  }
0x6f: {  	_ =	shalt  }
0x70: {  	_ =	shalt  }
0x71: {  	_ =	shalt  }
0x72: {  	_ =	shalt  }
0x73: {  	_ =	shalt  }
0x74: {  	_ =	shalt  }
0x75: {  	_ =	shalt  }
0x76: {  	_ =	shalt  }
0x77: {  	_ =	shalt  }
0x78: {  	_ =	shalt  }
0x79: {  	_ =	shalt  }
0x7a: {  	_ =	shalt  }
0x7b: {  	_ =	shalt  }
0x7c: {  	_ =	shalt  }
0x7d: {  	_ =	shalt  }
0x7e: {  	_ =	shalt  }
0x7f: {  	_ =	shalt  }
0x80: {  	_ =	shalt  }
0x81: {  	_ =	shalt  }
0x82: {  	_ =	shalt  }
0x83: {  	_ =	shalt  }
0x84: {  	_ =	shalt  }
0x85: {  	_ =	shalt  }
0x86: {  	_ =	shalt  }
0x87: {  	_ =	shalt  }
.Lfunc_end0:
.L_simem_size_0:
called_computation_lowered:
.L_overlay_start_0:
0x88: {  	s2 =	sld [smem:$0x3FD9]  }
0x89: {  	s3 =	sld [smem:$0x3FFE];
	_ =	sdelay $0x1  }
0x8a: {  	s1 =	srdreg.scid  }
0x8b: {  	s0 =	sand.u32 $0x1, s1  }
0x8c: {  	s17 =	sshll.u32 s0, $0xA;
	s2 =	sadd.s32 s3, s2  }
0x8d: {  	s2 =	sadd.s32 s2, s17  }
0x8e: {  	[smem:$0x3FC4] =	sst s2  }
0x8f: {  	_ = 	snop  }
0x90: {  	s2 =	sld [smem:$0x3FC7]  }
0x91: {  	s18 =	sld [smem:$0x3FC6]  }
0x92: {  	s4 =	sld [smem:$0x3FD0];
	(tm) =	ssettm $0x1  }
0x93: {  	s5 =	sld [smem:$0x3FFB];
	_ =	sdelay $0x3  }
0x94: {  	_ =	strace s5  }
0x95: {  	s5 =	sld [smem:$0x3FFC];
	_ =	sdelay $0x3  }
0x96: {  	_ =	strace s5  }
0x97: {  	s5 =	sld [smem:$0x3FFD];
	_ =	sdelay $0x3  }
0x98: {  	_ =	strace s5  }
0x99: {  	_ =	strace $0x8FFFFFFF  }
0x9a: {  	s19 =	sld [smem:$0x3FDB];
	_ =	sdelay $0x1  }
0x9b: {  	s6 =	simm.s32 $_scs_section_size  }
0x9c: {  	s7 =	simm.s32 $_size__tile_overlayer_lowered;
	s8 =	simm.s32 $_tile_overlayer_lowered  }
0x9d: {  	s22 =	simm.s32 $0x1BFF;
	s21 =	sshll.u32 s8, $0x1;
	s5 =	sadd.s32 s6, s19  }
0x9e: {  	s9 =	simm.s32 $0x0;
	s20 =	sshll.u32 s7, $0x1;
	s7 =	sadd.s32 s21, s5  }
0x9f: {  	[timem:s9], [sflag:s22] =	dma.local [hbm:s7], s20  }
0xa0: {  	_ =	swait.ge [sflag:s22], s20  }
0xa1: {  	s6 =	ssub.s32 $0x0, s20;
	[sflag:s22] =	ssyncset.done $0x0  }
0xa2: {  	[sflag:s22] =	ssyncadd.s32 s6;
	_ =	sdelay $0x1  }
0xa3: {  	s23 =	simm.s32 $0x1B8B  }
0xa4: {  	_ =	swait.ge [sflag:s23], $0x1  }
0xa5: {  	[sflag:s23] =	ssyncset.done $0x0  }
0xa6: {  	s25 =	simm.s32 $0x1B8E;
	s24 =	sld [smem:$0x3FFE];
	[sflag:s23] =	ssyncadd.s32 $0xFFFFFFFF  }
0xa7: {  	s26 =	simm.s32 $execute0_lowered;
	[smem:$0x3FD2] =	sst s25  }
0xa8: {  	s7 =	sshll.u32 s26, $0x1;
	_ =	strace $0x80000046;
	[dreg:$0x1] =	wrdreg $0xFFFFFFFF  }
0xa9: {  	s28 =	simm.s32 $_size_execute0_lowered;
	s5 =	sadd.s32 s5, s7;
	[dreg:$0x0] =	wrdreg $0x0  }
0xaa: {  	s7 =	sshll.u32 s28, $0x1;
	[dreg:$0x2] =	wrdreg s5  }
0xab: {  	[dreg:$0x3] =	wrdreg s7  }
0xac: {  	[dreg:$0x4] =	wrdreg $0xC0  }
0xad: {  	_ =	task [dreg:s9], $0x5FFFF  }
0xae: {  	[dreg:$0x1] =	wrdreg $0xFFFFFFFF  }
0xaf: {  	[dreg:$0x0] =	wrdreg $0x60  }
0xb0: {  	[dreg:$0x2] =	wrdreg s24  }
0xb1: {  	[dreg:$0x3] =	wrdreg s2  }
0xb2: {  	[dreg:$0x4] =	wrdreg s18  }
0xb3: {  	[dreg:$0x5] =	wrdreg s4  }
0xb4: {  	[dreg:$0x6] =	wrdreg $0x9  }
0xb5: {  	_ =	task.clear_ibuf [dreg:s9], $0x7FFFF;
	_ =	strace $0x90000046  }
0xb6: {  	s29 =	simm.s32 $0x9;
	_ =	strace $0x80000048  }
0xb7: {  	_ =	swait.ge [sflag:s29], $0x1  }
0xb8: {  	[sflag:s29] =	ssyncadd.s32 $0xFFFFFFFF  }
0xb9: {  	_ =	strace $0x90000048  }
0xba: {  	_ =	sfence  }
0xbb: {  	s30 =	sld [smem:$0x0];
	_ =	sdelay $0x2  }
0xbc: {  	s31 =	sshll.u32 s1, $0xD;
	s1 =	sshrl.u32 s1, $0x2  }
0xbd: {  	s3 =	sand.u32 $0x4000, s31;
	s1 =	sadd.s32 s1, s30  }
0xbe: {  	s0 =	sor.u32 s3, s0;
	s1 =	sshll.u32 s1, $0x11  }
0xbf: {  	s0 =	sor.u32 s1, s0  }
0xc0: {  	s0 =	sadd.s32 $0x8F2B, s0  }
0xc1: {  	[sflag:s0] =	ssyncadd.remote.s32 $0x1  }
0xc2: {  	_ =	sfence.sel $0xFFFF  }
0xc3: {  	[dreg:$0x0] =	wrdreg $0xFFFFFFFF;
	(pc) =	sbr.abs _section_cstart, $3  }
0xc4: {  	[dreg:$0x1] =	wrdreg $0xFFFFFFFF  }
0xc5: {  	_ =	task.clear_ibuf [dreg:s9], $0x2FFFF;
	_ =	strace $0x9FFFFFFF  }
0xc6: {  	(tm) =	ssettm $0x7FFFFFFF  }
0xc7: {  	_ =	shalt  }
tec
execute0_lowered:
.L_overlay_start_1:
0x0: {  	(tag) =	ssettag $0x1  }
0x1: {  	s6 =	rddreg [dreg:$0x0]  }
0x2: {  	s1 =	rddreg [dreg:$0x1]  }
0x3: {  	s2 =	rddreg [dreg:$0x2]  }
0x4: {  	s10 =	rddreg [dreg:$0x3];
	s3 =	simm.s32 $0x0  }
0x5: {  	[smem:$0x7FF] =	sst s3;
	s5 =	sadd.s32 $0xC3200, s10  }
0x6: {  	s18 =	simm.s32 $0x1C0;
	_ =	strace $0x80000047;
	[dreg:$0x5] =	wrdreg s5  }
0x7: {  	s19 =	simm.s32 $0x2A0;
	[dreg:$0x7] =	wrdreg s18  }
0x8: {  	s20 =	simm.s32 $0x380;
	[dreg:$0x8] =	wrdreg s19  }
0x9: {  	s21 =	simm.s32 $0x460;
	[dreg:$0x9] =	wrdreg s20  }
0xa: {  	s22 =	simm.s32 $0x540;
	[dreg:$0xa] =	wrdreg s21  }
0xb: {  	s23 =	simm.s32 $0x620;
	[dreg:$0xb] =	wrdreg s22  }
0xc: {  	s24 =	simm.s32 $0x700;
	[dreg:$0xc] =	wrdreg s23  }
0xd: {  	s25 =	simm.s32 $0x7E0;
	[dreg:$0xd] =	wrdreg s24  }
0xe: {  	s8 =	simm.s32 $0x8C0;
	[dreg:$0xe] =	wrdreg s25  }
0xf: {  	s26 =	simm.s32 $0x9A0;
	[dreg:$0xf] =	wrdreg s8  }
0x10: {  	s28 =	simm.s32 $0xA80;
	[dreg:$0x10] =	wrdreg s26  }
0x11: {  	s29 =	simm.s32 $0xB60;
	[dreg:$0x11] =	wrdreg s28  }
0x12: {  	s0 =	stileid.u32;
	s30 =	simm.s32 $0xC40;
	[dreg:$0x12] =	wrdreg s29  }
0x13: {  	s31 =	simm.s32 $0xD20;
	s9 =	smul.u32 $0xC, s0;
	[dreg:$0x13] =	wrdreg s30  }
0x14: {  	s11 =	sshll.u32 s0, $0x1;
	s0 =	simm.s32 $0xE00;
	[dreg:$0x14] =	wrdreg s31  }
0x15: {  	s14 =	simm.s32 $0xFC0;
	[dreg:$0x15] =	wrdreg s0  }
0x16: {  	s15 =	simm.s32 $0x10A0;
	[dreg:$0x17] =	wrdreg s14  }
0x17: {  	s16 =	simm.s32 $0x1260;
	[dreg:$0x18] =	wrdreg s15  }
0x18: {  	s5 =	simm.s32 $0xEE0;
	[dreg:$0x19] =	wrdreg s16  }
0x19: {  	s18 =	simm.s32 $0x1340;
	[dreg:$0x16] =	wrdreg s5  }
0x1a: {  	s20 =	simm.s32 $0x1420;
	[dreg:$0x1a] =	wrdreg s18  }
0x1b: {  	s21 =	simm.s32 $0x1500;
	[dreg:$0x1b] =	wrdreg s20  }
0x1c: {  	s14 =	simm.s32 $0x15E0;
	[dreg:$0x1c] =	wrdreg s21  }
0x1d: {  	s24 =	simm.s32 $0x16C0;
	[dreg:$0x1d] =	wrdreg s14  }
0x1e: {  	s4 =	srdreg.scid;
	s25 =	simm.s32 $0x17A0;
	[dreg:$0x1e] =	wrdreg s24  }
0x1f: {  	s7 =	sand.u32 $0x1, s4;
	s26 =	simm.s32 $0x1880;
	[dreg:$0x1f] =	wrdreg s25  }
0x20: {  	s4 =	simm.s32 $0x6;
	s28 =	simm.s32 $0x1960;
	[smem:$0x7F2] =	sst s26  }
0x21: {  	p0 =	seq.s32 s7, $0x0;
	s29 =	simm.s32 $0x1A40;
	[smem:$0x7F3] =	sst s28  }
0x22: {  	s11 =	sor.u32 $0xC0, s11;
	s30 =	simm.s32 $0x1B20;
	[smem:$0x7F4] =	sst s29  }
0x23: {  	s7 =	ssub.s32 $0x2, s7;
	s31 =	simm.s32 $0x1C00;
	[smem:$0x7F5] =	sst s30  }
0x24: {  	s16 =	simm.s32 $0x1CE0;
	s4 =	simm.s32 @!p0 $0x1;
	[smem:$0x7F6] =	sst s31  }
0x25: {  	s11 =	smov.u32 @p0 s9;
	s14 =	simm.s32 $0x5;
	[smem:$0x7F7] =	sst s16  }
0x26: {  	s16 =	simm.s32 $0xE0;
	s18 =	simm.s32 $0x1EA0;
	s20 =	simm.s32 $0x2060  }
0x27: {  	s21 =	simm.s32 $0x2140;
	s24 =	simm.s32 $0x2;
	s9 =	smul.u32 $0x230, s11  }
0x28: {  	s25 =	simm.s32 $0x0;
	s12 =	smul.u32 $0x1C, s11;
	[smem:$0x7F9] =	sst s18  }
0x29: {  	s17 =	ssub.s32 $0x0, s4;
	s15 =	smul.u32 $0xE00, s11;
	[smem:$0x7FB] =	sst s20  }
0x2a: {  	s11 =	ssub.s32 $0xDE, s11;
	s18 =	simm.s32 $0x3;
	[smem:$0x7FC] =	sst s21  }
0x2b: {  	s20 =	simm.s32 $0x2400;
	s21 =	simm.s32 $0x9500;
	[dreg:$0x6] =	wrdreg s17  }
0x2c: {  	s17 =	sshrl.u32 s7, $0x1;
	s13 =	sadd.s32 s9, s6;
	s12 =	sadd.s32 s12, s6  }
0x2d: {  	s19 =	ssub.s32 s7, s17;
	s6 =	simm.s32 $0x6;
	s10 =	sadd.s32 s15, s10  }
0x2e: {  	s15 =	simm.s32 $0x2300;
	s17 =	simm.s32 $0x1DC0;
	s22 =	sadd.s32 $0x1E00, s13  }
0x2f: {  	s23 =	sadd.s32 $0x400, s12;
	s9 =	smax.u32 s19, $0x1;
	[smem:$0x7F8] =	sst s17  }
0x30: {  	s12 =	sadd.s32 $0x41C, s12;
	s13 =	sadd.s32 $0x2030, s13;
	[smem:$0x7F0] =	sst s22  }
0x31: {  	s17 =	simm.s32 $0x2500;
	s19 =	simm.s32 $0x1F80;
	[smem:$0x7F1] =	sst s23  }
0x32: {  	[smem:$0x7FA] =	sst s19;
	s19 =	simm.s32 $0x1180;
	s23 =	simm.s32 $0x2220  }
0x33: {  	s22 =	simm.s32 $0x4;
	[smem:$0x7FD] =	sst s23;
	s23 =	simm.s32 $0x1  }
.LBB2_1:
0x34: {  	s0 =	sld [smem:$0x7F0];
	_ =	sdelay $0x2  }
0x35: {  	[tilespmem:s3], [sflag:$0x5] =	stream.linear.gather [hbm4b:s0+s3], $0x1180, $0x38;
	[tilespmem:$0x10500] =	vst v63  }
0x36: {  	_ =	swait.ge [sflag:s14], $0x1180  }
0x37: {  	s26 =	sld [smem:$0x7F1]  }
0x38: {  	[sflag:s14] =	ssyncset.done $0x0  }
0x39: {  	[sflag:s14] =	ssyncadd.s32 $0xFFFFEE80  }
0x3a: {  	[tilespmem:s15], [sflag:$0x5] =	stream.linear.gather [hbm4b:s26+s3], $0xE0, $0x38;
	[tilespmem:$0x10500] =	vst v63  }
0x3b: {  	s28 =	smov.u32 s12;
	_ =	swait.ge [sflag:s14], $0xE0  }
0x3c: {  	s29 =	smov.u32 s11;
	s30 =	smov.u32 s10;
	[sflag:s14] =	ssyncset.done $0x0  }
0x3d: {  	s31 =	simm.s32 $0x1;
	s26 =	smov.u32 s13;
	[sflag:s14] =	ssyncadd.s32 $0xFFFFFF20  }
0x3e: {  	[tilespmem:s17], [sflag:$0x3] =	stream.indirect.gather [hbm4b:s2+s16], $0x80, s15, s16, $0xb8;
	[tilespmem:$0x10500] =	vst v63  }
.LBB2_2:
0x3f: {  	_ =	swait.ge [sflag:s18], $0x7000  }
0x40: {  	[sflag:s18] =	ssyncset.done $0x0  }
0x41: {  	[sflag:s18] =	ssyncadd.s32 $0xFFFF9000  }
0x42: {  	[tilespmem:s17], [sflag:$0x1] =	stream.indirect.gather.add.f32 [hbm:s1], $0x80, s3, s16, $0xb8;
	[tilespmem:$0x10500] =	vst v63  }
0x43: {  	_ = 	snop  }
0x44: {  	[tilespmem:s17], [sflag:$0x1] =	stream.indirect.gather.add.f32 [hbm:s1], $0x80, s16, s16, $0xb8;
	[tilespmem:$0x10500] =	vst v63  }
0x45: {  	s0 =	rddreg [dreg:$0x7]  }
0x46: {  	[tilespmem:s17], [sflag:$0x1] =	stream.indirect.gather.add.f32 [hbm:s1], $0x80, s0, s16, $0xb8;
	[tilespmem:$0x10500] =	vst v63  }
0x47: {  	s5 =	rddreg [dreg:$0x8]  }
0x48: {  	[tilespmem:s17], [sflag:$0x1] =	stream.indirect.gather.add.f32 [hbm:s1], $0x80, s5, s16, $0xb8;
	[tilespmem:$0x10500] =	vst v63  }
0x49: {  	s7 =	rddreg [dreg:$0x9]  }
0x4a: {  	[tilespmem:s17], [sflag:$0x1] =	stream.indirect.gather.add.f32 [hbm:s1], $0x80, s7, s16, $0xb8;
	[tilespmem:$0x10500] =	vst v63  }
0x4b: {  	s8 =	rddreg [dreg:$0xa]  }
0x4c: {  	[tilespmem:s17], [sflag:$0x1] =	stream.indirect.gather.add.f32 [hbm:s1], $0x80, s8, s16, $0xb8;
	[tilespmem:$0x10500] =	vst v63  }
0x4d: {  	s7 =	rddreg [dreg:$0xb]  }
0x4e: {  	[tilespmem:s17], [sflag:$0x1] =	stream.indirect.gather.add.f32 [hbm:s1], $0x80, s7, s16, $0xb8;
	[tilespmem:$0x10500] =	vst v63  }
0x4f: {  	s8 =	rddreg [dreg:$0xc]  }
0x50: {  	[tilespmem:s17], [sflag:$0x1] =	stream.indirect.gather.add.f32 [hbm:s1], $0x80, s8, s16, $0xb8;
	[tilespmem:$0x10500] =	vst v63  }
0x51: {  	s7 =	rddreg [dreg:$0xd]  }
0x52: {  	[tilespmem:s17], [sflag:$0x1] =	stream.indirect.gather.add.f32 [hbm:s1], $0x80, s7, s16, $0xb8;
	[tilespmem:$0x10500] =	vst v63  }
0x53: {  	s8 =	rddreg [dreg:$0xe]  }
0x54: {  	[tilespmem:s17], [sflag:$0x1] =	stream.indirect.gather.add.f32 [hbm:s1], $0x80, s8, s16, $0xb8;
	[tilespmem:$0x10500] =	vst v63  }
0x55: {  	s7 =	rddreg [dreg:$0xf]  }
0x56: {  	[tilespmem:s17], [sflag:$0x1] =	stream.indirect.gather.add.f32 [hbm:s1], $0x80, s7, s16, $0xb8;
	[tilespmem:$0x10500] =	vst v63  }
0x57: {  	s8 =	rddreg [dreg:$0x10]  }
0x58: {  	[tilespmem:s17], [sflag:$0x1] =	stream.indirect.gather.add.f32 [hbm:s1], $0x80, s8, s16, $0xb8;
	[tilespmem:$0x10500] =	vst v63  }
0x59: {  	s7 =	rddreg [dreg:$0x11]  }
0x5a: {  	[tilespmem:s17], [sflag:$0x1] =	stream.indirect.gather.add.f32 [hbm:s1], $0x80, s7, s16, $0xb8;
	[tilespmem:$0x10500] =	vst v63  }
0x5b: {  	s8 =	rddreg [dreg:$0x12]  }
0x5c: {  	[tilespmem:s17], [sflag:$0x1] =	stream.indirect.gather.add.f32 [hbm:s1], $0x80, s8, s16, $0xb8;
	[tilespmem:$0x10500] =	vst v63  }
0x5d: {  	s7 =	rddreg [dreg:$0x13]  }
0x5e: {  	[tilespmem:s17], [sflag:$0x1] =	stream.indirect.gather.add.f32 [hbm:s1], $0x80, s7, s16, $0xb8;
	[tilespmem:$0x10500] =	vst v63  }
0x5f: {  	s8 =	rddreg [dreg:$0x14]  }
0x60: {  	[tilespmem:s17], [sflag:$0x1] =	stream.indirect.gather.add.f32 [hbm:s1], $0x80, s8, s16, $0xb8;
	[tilespmem:$0x10500] =	vst v63  }
0x61: {  	s7 =	rddreg [dreg:$0x15]  }
0x62: {  	[tilespmem:s17], [sflag:$0x1] =	stream.indirect.gather.add.f32 [hbm:s1], $0x80, s7, s16, $0xb8;
	[tilespmem:$0x10500] =	vst v63  }
0x63: {  	s8 =	rddreg [dreg:$0x16]  }
0x64: {  	[tilespmem:s17], [sflag:$0x1] =	stream.indirect.gather.add.f32 [hbm:s1], $0x80, s8, s16, $0xb8;
	[tilespmem:$0x10500] =	vst v63  }
0x65: {  	s7 =	rddreg [dreg:$0x17]  }
0x66: {  	[tilespmem:s17], [sflag:$0x1] =	stream.indirect.gather.add.f32 [hbm:s1], $0x80, s7, s16, $0xb8;
	[tilespmem:$0x10500] =	vst v63  }
0x67: {  	s8 =	rddreg [dreg:$0x18]  }
0x68: {  	[tilespmem:s17], [sflag:$0x1] =	stream.indirect.gather.add.f32 [hbm:s1], $0x80, s8, s16, $0xb8;
	[tilespmem:$0x10500] =	vst v63  }
0x69: {  	_ = 	snop  }
0x6a: {  	[tilespmem:s19], [sflag:$0x6] =	stream.linear.gather [hbm4b:s26+s3], $0x1180, $0x38;
	[tilespmem:$0x10500] =	vst v63  }
0x6b: {  	_ =	swait.ge [sflag:s6], $0x1180  }
0x6c: {  	[sflag:s6] =	ssyncset.done $0x0  }
0x6d: {  	[sflag:s6] =	ssyncadd.s32 $0xFFFFEE80  }
0x6e: {  	[tilespmem:s20], [sflag:$0x6] =	stream.linear.gather [hbm4b:s28+s3], $0xE0, $0x38;
	[tilespmem:$0x10500] =	vst v63  }
0x6f: {  	_ =	swait.ge [sflag:s6], $0xE0  }
0x70: {  	[sflag:s6] =	ssyncset.done $0x0  }
0x71: {  	[sflag:s6] =	ssyncadd.s32 $0xFFFFFF20  }
0x72: {  	[tilespmem:s21], [sflag:$0x4] =	stream.indirect.gather [hbm4b:s2+s16], $0x80, s20, s16, $0xb8;
	[tilespmem:$0x10500] =	vst v63  }
0x73: {  	_ =	swait.ge [sflag:s22], $0x7000  }
0x74: {  	[sflag:s22] =	ssyncset.done $0x0  }
0x75: {  	s7 =	rddreg [dreg:$0x19];
	[sflag:s22] =	ssyncadd.s32 $0xFFFF9000  }
0x76: {  	[tilespmem:s21], [sflag:$0x2] =	stream.indirect.gather.add.f32 [hbm:s1], $0x80, s19, s16, $0xb8;
	[tilespmem:$0x10500] =	vst v63  }
0x77: {  	s8 =	rddreg [dreg:$0x1a]  }
0x78: {  	[tilespmem:s21], [sflag:$0x2] =	stream.indirect.gather.add.f32 [hbm:s1], $0x80, s7, s16, $0xb8;
	[tilespmem:$0x10500] =	vst v63  }
0x79: {  	s7 =	rddreg [dreg:$0x1b]  }
0x7a: {  	[tilespmem:s21], [sflag:$0x2] =	stream.indirect.gather.add.f32 [hbm:s1], $0x80, s8, s16, $0xb8;
	[tilespmem:$0x10500] =	vst v63  }
0x7b: {  	s8 =	rddreg [dreg:$0x1c]  }
0x7c: {  	[tilespmem:s21], [sflag:$0x2] =	stream.indirect.gather.add.f32 [hbm:s1], $0x80, s7, s16, $0xb8;
	[tilespmem:$0x10500] =	vst v63  }
0x7d: {  	s7 =	rddreg [dreg:$0x1d]  }
0x7e: {  	[tilespmem:s21], [sflag:$0x2] =	stream.indirect.gather.add.f32 [hbm:s1], $0x80, s8, s16, $0xb8;
	[tilespmem:$0x10500] =	vst v63  }
0x7f: {  	s8 =	rddreg [dreg:$0x1e]  }
0x80: {  	[tilespmem:s21], [sflag:$0x2] =	stream.indirect.gather.add.f32 [hbm:s1], $0x80, s7, s16, $0xb8;
	[tilespmem:$0x10500] =	vst v63  }
0x81: {  	s7 =	rddreg [dreg:$0x1f]  }
0x82: {  	[tilespmem:s21], [sflag:$0x2] =	stream.indirect.gather.add.f32 [hbm:s1], $0x80, s8, s16, $0xb8;
	[tilespmem:$0x10500] =	vst v63  }
0x83: {  	s8 =	sld [smem:$0x7F2]  }
0x84: {  	[tilespmem:s21], [sflag:$0x2] =	stream.indirect.gather.add.f32 [hbm:s1], $0x80, s7, s16, $0xb8;
	[tilespmem:$0x10500] =	vst v63  }
0x85: {  	s7 =	sld [smem:$0x7F3]  }
0x86: {  	[tilespmem:s21], [sflag:$0x2] =	stream.indirect.gather.add.f32 [hbm:s1], $0x80, s8, s16, $0xb8;
	[tilespmem:$0x10500] =	vst v63  }
0x87: {  	s8 =	sld [smem:$0x7F4]  }
0x88: {  	[tilespmem:s21], [sflag:$0x2] =	stream.indirect.gather.add.f32 [hbm:s1], $0x80, s7, s16, $0xb8;
	[tilespmem:$0x10500] =	vst v63  }
0x89: {  	s7 =	sld [smem:$0x7F5]  }
0x8a: {  	[tilespmem:s21], [sflag:$0x2] =	stream.indirect.gather.add.f32 [hbm:s1], $0x80, s8, s16, $0xb8;
	[tilespmem:$0x10500] =	vst v63  }
0x8b: {  	s8 =	sld [smem:$0x7F6]  }
0x8c: {  	[tilespmem:s21], [sflag:$0x2] =	stream.indirect.gather.add.f32 [hbm:s1], $0x80, s7, s16, $0xb8;
	[tilespmem:$0x10500] =	vst v63  }
0x8d: {  	s7 =	sld [smem:$0x7F7]  }
0x8e: {  	[tilespmem:s21], [sflag:$0x2] =	stream.indirect.gather.add.f32 [hbm:s1], $0x80, s8, s16, $0xb8;
	[tilespmem:$0x10500] =	vst v63  }
0x8f: {  	s8 =	sld [smem:$0x7F8]  }
0x90: {  	[tilespmem:s21], [sflag:$0x2] =	stream.indirect.gather.add.f32 [hbm:s1], $0x80, s7, s16, $0xb8;
	[tilespmem:$0x10500] =	vst v63  }
0x91: {  	s7 =	sld [smem:$0x7F9]  }
0x92: {  	[tilespmem:s21], [sflag:$0x2] =	stream.indirect.gather.add.f32 [hbm:s1], $0x80, s8, s16, $0xb8;
	[tilespmem:$0x10500] =	vst v63  }
0x93: {  	s8 =	sld [smem:$0x7FA]  }
0x94: {  	[tilespmem:s21], [sflag:$0x2] =	stream.indirect.gather.add.f32 [hbm:s1], $0x80, s7, s16, $0xb8;
	[tilespmem:$0x10500] =	vst v63  }
0x95: {  	s7 =	sld [smem:$0x7FB]  }
0x96: {  	[tilespmem:s21], [sflag:$0x2] =	stream.indirect.gather.add.f32 [hbm:s1], $0x80, s8, s16, $0xb8;
	[tilespmem:$0x10500] =	vst v63  }
0x97: {  	s8 =	sld [smem:$0x7FC]  }
0x98: {  	[tilespmem:s21], [sflag:$0x2] =	stream.indirect.gather.add.f32 [hbm:s1], $0x80, s7, s16, $0xb8;
	[tilespmem:$0x10500] =	vst v63  }
0x99: {  	s7 =	sld [smem:$0x7FD]  }
0x9a: {  	[tilespmem:s21], [sflag:$0x2] =	stream.indirect.gather.add.f32 [hbm:s1], $0x80, s8, s16, $0xb8;
	[tilespmem:$0x10500] =	vst v63  }
0x9b: {  	_ = 	snop  }
0x9c: {  	[tilespmem:s21], [sflag:$0x2] =	stream.indirect.gather.add.f32 [hbm:s1], $0x80, s7, s16, $0xb8;
	[tilespmem:$0x10500] =	vst v63  }
0x9d: {  	_ =	swait.ge [sflag:s23], $0x7000  }
0x9e: {  	[sflag:s23] =	ssyncset.done $0x0  }
0x9f: {  	[sflag:s23] =	ssyncadd.s32 $0xFFFF9000  }
0xa0: {  	_ =	swait.ge [sflag:s23], $0x7000  }
0xa1: {  	[sflag:s23] =	ssyncset.done $0x0  }
0xa2: {  	[sflag:s23] =	ssyncadd.s32 $0xFFFF9000  }
0xa3: {  	_ =	swait.ge [sflag:s23], $0x7000  }
0xa4: {  	[sflag:s23] =	ssyncset.done $0x0  }
0xa5: {  	[sflag:s23] =	ssyncadd.s32 $0xFFFF9000  }
0xa6: {  	_ =	swait.ge [sflag:s23], $0x7000  }
0xa7: {  	[sflag:s23] =	ssyncset.done $0x0  }
0xa8: {  	[sflag:s23] =	ssyncadd.s32 $0xFFFF9000  }
0xa9: {  	_ =	swait.ge [sflag:s23], $0x7000  }
0xaa: {  	[sflag:s23] =	ssyncset.done $0x0  }
0xab: {  	[sflag:s23] =	ssyncadd.s32 $0xFFFF9000  }
0xac: {  	_ =	swait.ge [sflag:s23], $0x7000  }
0xad: {  	[sflag:s23] =	ssyncset.done $0x0  }
0xae: {  	[sflag:s23] =	ssyncadd.s32 $0xFFFF9000  }
0xaf: {  	_ =	swait.ge [sflag:s23], $0x7000  }
0xb0: {  	[sflag:s23] =	ssyncset.done $0x0  }
0xb1: {  	[sflag:s23] =	ssyncadd.s32 $0xFFFF9000  }
0xb2: {  	_ =	swait.ge [sflag:s23], $0x7000  }
0xb3: {  	[sflag:s23] =	ssyncset.done $0x0  }
0xb4: {  	[sflag:s23] =	ssyncadd.s32 $0xFFFF9000  }
0xb5: {  	_ =	swait.ge [sflag:s23], $0x7000  }
0xb6: {  	[sflag:s23] =	ssyncset.done $0x0  }
0xb7: {  	[sflag:s23] =	ssyncadd.s32 $0xFFFF9000  }
0xb8: {  	_ =	swait.ge [sflag:s23], $0x7000  }
0xb9: {  	[sflag:s23] =	ssyncset.done $0x0  }
0xba: {  	[sflag:s23] =	ssyncadd.s32 $0xFFFF9000  }
0xbb: {  	_ =	swait.ge [sflag:s23], $0x7000  }
0xbc: {  	[sflag:s23] =	ssyncset.done $0x0  }
0xbd: {  	[sflag:s23] =	ssyncadd.s32 $0xFFFF9000  }
0xbe: {  	_ =	swait.ge [sflag:s23], $0x7000  }
0xbf: {  	[sflag:s23] =	ssyncset.done $0x0  }
0xc0: {  	[sflag:s23] =	ssyncadd.s32 $0xFFFF9000  }
0xc1: {  	_ =	swait.ge [sflag:s23], $0x7000  }
0xc2: {  	[sflag:s23] =	ssyncset.done $0x0  }
0xc3: {  	[sflag:s23] =	ssyncadd.s32 $0xFFFF9000  }
0xc4: {  	_ =	swait.ge [sflag:s23], $0x7000  }
0xc5: {  	[sflag:s23] =	ssyncset.done $0x0  }
0xc6: {  	[sflag:s23] =	ssyncadd.s32 $0xFFFF9000  }
0xc7: {  	_ =	swait.ge [sflag:s23], $0x7000  }
0xc8: {  	[sflag:s23] =	ssyncset.done $0x0  }
0xc9: {  	[sflag:s23] =	ssyncadd.s32 $0xFFFF9000  }
0xca: {  	_ =	swait.ge [sflag:s23], $0x7000  }
0xcb: {  	[sflag:s23] =	ssyncset.done $0x0  }
0xcc: {  	[sflag:s23] =	ssyncadd.s32 $0xFFFF9000  }
0xcd: {  	_ =	swait.ge [sflag:s23], $0x7000  }
0xce: {  	[sflag:s23] =	ssyncset.done $0x0  }
0xcf: {  	[sflag:s23] =	ssyncadd.s32 $0xFFFF9000  }
0xd0: {  	_ =	swait.ge [sflag:s23], $0x7000  }
0xd1: {  	[sflag:s23] =	ssyncset.done $0x0  }
0xd2: {  	[sflag:s23] =	ssyncadd.s32 $0xFFFF9000  }
0xd3: {  	_ =	swait.ge [sflag:s23], $0x7000  }
0xd4: {  	[sflag:s23] =	ssyncset.done $0x0  }
0xd5: {  	[sflag:s23] =	ssyncadd.s32 $0xFFFF9000  }
0xd6: {  	_ =	swait.ge [sflag:s23], $0x7000  }
0xd7: {  	[sflag:s23] =	ssyncset.done $0x0  }
0xd8: {  	[sflag:s23] =	ssyncadd.s32 $0xFFFF9000  }
0xd9: {  	[hbm4b:s30+s3] =	stream.linear.scatter [tilespmem:s17], [sflag:$0x6], $0x7000, $0x38;
	[tilespmem:$0x10500] =	vst v63  }
0xda: {  	_ =	swait.ge [sflag:s6], $0x7000  }
0xdb: {  	p0 =	sge.u32 s31, s4;
	[sflag:s6] =	ssyncset.done $0x0  }
0xdc: {  	s0 =	sadd.s32 @!p0 $0x230, s26;
	s5 =	simm.s32 @!p0 $0x0;
	[sflag:s6] =	ssyncadd.s32 $0xFFFF9000  }
0xdd: {  	[tilespmem:s5], [sflag:$0x6] =	stream.linear.gather @!p0 [hbm4b:s0+s5], $0x1180, $0x38;
	[tilespmem:$0x10500] =	vst v63  }
0xde: {  	s0 =	simm.s32 @!p0 $0x6  }
0xdf: {  	_ =	swait.ge @!p0 [sflag:s0], $0x1180  }
0xe0: {  	[sflag:s0] =	ssyncset.done @!p0 $0x0  }
0xe1: {  	s8 =	simm.s32 @!p0 $0x2300;
	s7 =	sadd.s32 @!p0 $0x1C, s28;
	[sflag:s0] =	ssyncadd.s32 @!p0 $0xFFFFEE80  }
0xe2: {  	[tilespmem:s8], [sflag:$0x6] =	stream.linear.gather @!p0 [hbm4b:s7+s5], $0xE0, $0x38;
	[tilespmem:$0x10500] =	vst v63  }
0xe3: {  	_ =	swait.ge @!p0 [sflag:s0], $0xE0  }
0xe4: {  	[sflag:s0] =	ssyncset.done @!p0 $0x0  }
0xe5: {  	s5 =	simm.s32 @!p0 $0x2500;
	[sflag:s0] =	ssyncadd.s32 @!p0 $0xFFFFFF20;
	s0 =	simm.s32 @!p0 $0xE0  }
0xe6: {  	[tilespmem:s5], [sflag:$0x3] =	stream.indirect.gather @!p0 [hbm4b:s2+s0], $0x80, s8, s0, $0xb8;
	[tilespmem:$0x10500] =	vst v63  }
0xe7: {  	_ =	swait.ge [sflag:s24], $0x7000  }
0xe8: {  	[sflag:s24] =	ssyncset.done $0x0  }
0xe9: {  	[sflag:s24] =	ssyncadd.s32 $0xFFFF9000  }
0xea: {  	_ =	swait.ge [sflag:s24], $0x7000  }
0xeb: {  	[sflag:s24] =	ssyncset.done $0x0  }
0xec: {  	[sflag:s24] =	ssyncadd.s32 $0xFFFF9000  }
0xed: {  	_ =	swait.ge [sflag:s24], $0x7000  }
0xee: {  	[sflag:s24] =	ssyncset.done $0x0  }
0xef: {  	[sflag:s24] =	ssyncadd.s32 $0xFFFF9000  }
0xf0: {  	_ =	swait.ge [sflag:s24], $0x7000  }
0xf1: {  	[sflag:s24] =	ssyncset.done $0x0  }
0xf2: {  	[sflag:s24] =	ssyncadd.s32 $0xFFFF9000  }
0xf3: {  	_ =	swait.ge [sflag:s24], $0x7000  }
0xf4: {  	[sflag:s24] =	ssyncset.done $0x0  }
0xf5: {  	[sflag:s24] =	ssyncadd.s32 $0xFFFF9000  }
0xf6: {  	_ =	swait.ge [sflag:s24], $0x7000  }
0xf7: {  	[sflag:s24] =	ssyncset.done $0x0  }
0xf8: {  	[sflag:s24] =	ssyncadd.s32 $0xFFFF9000  }
0xf9: {  	_ =	swait.ge [sflag:s24], $0x7000  }
0xfa: {  	[sflag:s24] =	ssyncset.done $0x0  }
0xfb: {  	[sflag:s24] =	ssyncadd.s32 $0xFFFF9000  }
0xfc: {  	_ =	swait.ge [sflag:s24], $0x7000  }
0xfd: {  	[sflag:s24] =	ssyncset.done $0x0  }
0xfe: {  	[sflag:s24] =	ssyncadd.s32 $0xFFFF9000  }
0xff: {  	_ =	swait.ge [sflag:s24], $0x7000  }
0x100: {  	[sflag:s24] =	ssyncset.done $0x0  }
0x101: {  	[sflag:s24] =	ssyncadd.s32 $0xFFFF9000  }
0x102: {  	_ =	swait.ge [sflag:s24], $0x7000  }
0x103: {  	[sflag:s24] =	ssyncset.done $0x0  }
0x104: {  	[sflag:s24] =	ssyncadd.s32 $0xFFFF9000  }
0x105: {  	_ =	swait.ge [sflag:s24], $0x7000  }
0x106: {  	[sflag:s24] =	ssyncset.done $0x0  }
0x107: {  	[sflag:s24] =	ssyncadd.s32 $0xFFFF9000  }
0x108: {  	_ =	swait.ge [sflag:s24], $0x7000  }
0x109: {  	[sflag:s24] =	ssyncset.done $0x0  }
0x10a: {  	[sflag:s24] =	ssyncadd.s32 $0xFFFF9000  }
0x10b: {  	_ =	swait.ge [sflag:s24], $0x7000  }
0x10c: {  	[sflag:s24] =	ssyncset.done $0x0  }
0x10d: {  	[sflag:s24] =	ssyncadd.s32 $0xFFFF9000  }
0x10e: {  	_ =	swait.ge [sflag:s24], $0x7000  }
0x10f: {  	[sflag:s24] =	ssyncset.done $0x0  }
0x110: {  	[sflag:s24] =	ssyncadd.s32 $0xFFFF9000  }
0x111: {  	_ =	swait.ge [sflag:s24], $0x7000  }
0x112: {  	[sflag:s24] =	ssyncset.done $0x0  }
0x113: {  	[sflag:s24] =	ssyncadd.s32 $0xFFFF9000  }
0x114: {  	_ =	swait.ge [sflag:s24], $0x7000  }
0x115: {  	[sflag:s24] =	ssyncset.done $0x0  }
0x116: {  	[sflag:s24] =	ssyncadd.s32 $0xFFFF9000  }
0x117: {  	_ =	swait.ge [sflag:s24], $0x7000  }
0x118: {  	[sflag:s24] =	ssyncset.done $0x0  }
0x119: {  	[sflag:s24] =	ssyncadd.s32 $0xFFFF9000  }
0x11a: {  	_ =	swait.ge [sflag:s24], $0x7000  }
0x11b: {  	[sflag:s24] =	ssyncset.done $0x0  }
0x11c: {  	[sflag:s24] =	ssyncadd.s32 $0xFFFF9000  }
0x11d: {  	_ =	swait.ge [sflag:s24], $0x7000  }
0x11e: {  	[sflag:s24] =	ssyncset.done $0x0  }
0x11f: {  	[sflag:s24] =	ssyncadd.s32 $0xFFFF9000  }
0x120: {  	p0 =	seq.s32 s29, $0x0;
	_ =	swait.ge [sflag:s24], $0x7000  }
0x121: {  	s5 =	simm.s32 @p0 $0x0;
	[sflag:s24] =	ssyncset.done $0x0  }
0x122: {  	s7 =	simm.s32 @p0 $0x9500;
	s0 =	rddreg [dreg:$0x5];
	[sflag:s24] =	ssyncadd.s32 $0xFFFF9000  }
0x123: {  	[hbm4b:s0+s5] =	stream.linear.scatter @p0 [tilespmem:s7], [sflag:$0x5], $0x1800, $0x38;
	[tilespmem:$0x10500] =	vst v63  }
0x124: {  	s0 =	simm.s32 @p0 $0x5  }
0x125: {  	_ =	swait.ge @p0 [sflag:s0], $0x1800  }
0x126: {  	s5 =	simm.s32 @!p0 $0x0;
	[sflag:s0] =	ssyncset.done @p0 $0x0  }
0x127: {  	s7 =	simm.s32 @!p0 $0x9500;
	[sflag:s0] =	ssyncadd.s32 @p0 $0xFFFFE800;
	s0 =	sadd.s32 @!p0 $0xE00, s30  }
0x128: {  	[hbm4b:s0+s5] =	stream.linear.scatter @!p0 [tilespmem:s7], [sflag:$0x6], $0x7000, $0x38;
	[tilespmem:$0x10500] =	vst v63  }
0x129: {  	s0 =	simm.s32 @!p0 $0x6  }
0x12a: {  	_ =	swait.ge @!p0 [sflag:s0], $0x7000  }
0x12b: {  	s31 =	sadd.s32 $0x1, s31;
	s8 =	rddreg [dreg:$0x6]  }
0x12c: {  	[sflag:s0] =	ssyncset.done @!p0 $0x0;
	s5 =	sadd.s32 s31, s8  }
0x12d: {  	[sflag:s0] =	ssyncadd.s32 @!p0 $0xFFFF9000;
	p0 =	sne.s32 s5, $0x1  }
.Ltmp0:
0x12e: {  	_ = 	snop;
	(pc) =	sbr.rel @p0 .LBB2_2-.Ltmp0, $3  }
0x12f: {  	_ =	sdelay $0x1  }
0x130: {  	s26 =	sadd.s32 $0x460, s26  }
0x131: {  	s28 =	sadd.s32 $0x38, s28;
	s29 =	sadd.s32 $0xFFFFFFFE, s29;
	s30 =	sadd.s32 $0x1C00, s30  }
0x132: {  	s25 =	sadd.s32 $0x1, s25  }
0x133: {  	p0 =	sne.s32 s25, s9  }
.Ltmp1:
0x134: {  	_ = 	snop;
	(pc) =	sbr.rel @p0 .LBB2_1-.Ltmp1, $1  }
0x135: {  	_ =	sdelay $0x3  }
0x136: {  	_ =	sfence.sel $0x180000  }
0x137: {  	[bflag:$0x0] =	sbarrier.arrive $0xFFFF  }
0x138: {  	_ =	strace $0x90000047  }
0x139: {  	s0 =	stileid.u32;
	[bflag:$0x2] =	sbarrier.arrive $0xFFFF  }
0x13a: {  	p0 =	sne.s32 s0, $0x0;
	s0 =	rddreg [dreg:$0x4]  }
0x13b: {  	s0 =	sadd.s32 @!p0 $0x100000, s0  }
0x13c: {  	[sflag:s0] =	ssyncadd.tile.s32 @!p0 $0x1;
	_ =	shalt  }
.Lfunc_end2:
_tile_overlayer_lowered:
.L_overlay_start_2:
0x13d: {  	(tag) =	ssettag $0x2  }
0x13e: {  	s0 =	rddreg [dreg:$0x0];
	s2 =	stileid.u32  }
0x13f: {  	s1 =	rddreg [dreg:$0x1];
	p0 =	sne.s32 s2, $0x0  }
0x140: {  	s3 =	rddreg [dreg:$0x2];
	[bflag:$0x3] =	sbarrier.arrive $0xFFFF;
	s2 =	simm.s32 @!p0 $0x1C05  }
0x141: {  	[timem:s3], [sflag:s2] =	dma.local @!p0 [hbm:s0], s1  }
0x142: {  	s0 =	simm.s32 @!p0 $0x5  }
0x143: {  	_ =	swait.ge @!p0 [sflag:s0], s1  }
0x144: {  	s1 =	ssub.s32 @!p0 $0x0, s1;
	[sflag:s0] =	ssyncset.done @!p0 $0x0  }
0x145: {  	[sflag:s0] =	ssyncadd.s32 @!p0 s1  }
0x146: {  	[bflag:$0x3] =	sbarrier.arrive $0xFFFF  }
0x147: {  	_ =	shalt  }

</sc_bundles>
